<compile_context>
chip_gen: v7x
topology: tpu7x:2x2x1
jax: 0.10.2.dev20260603
libtpu: 0.0.44.dev20260713+nightly
codegen_flags: <defaults>
</compile_context>

<pallas_src>
import functools

import jax
import jax.numpy as jnp
from jax import lax
from jax.experimental import pallas as pl
from jax.experimental.pallas import tpu as pltpu
from jax.experimental.pallas import tpu_sc as plsc

_NC = 2
_NS = 16
_NW = _NC * _NS
_D = 80
_DP = 128
_C = 128
_NSLOT = 5


@functools.partial(jax.jit, static_argnames=("B",))
def _sc_embed(idx2d, table, B):
    b_per_w = B // _NW
    n_chunks = b_per_w // _C
    assert b_per_w % _C == 0 and n_chunks % _NSLOT == 0

    mesh = plsc.VectorSubcoreMesh(core_axis_name="c", subcore_axis_name="s")

    @functools.partial(
        pl.kernel,
        mesh=mesh,
        out_type=jax.ShapeDtypeStruct((B, _DP), jnp.float32),
        scratch_types=[
            pltpu.VMEM((_NSLOT, 1, _C), jnp.int32),
            pltpu.VMEM((_NSLOT, _C, _DP), jnp.float32),
        ]
        + [pltpu.SemaphoreType.DMA] * (2 * _NSLOT),
    )
    def k(idx_hbm, table_hbm, out_hbm, idx_v, rows_v, *sems):
        sg = sems[:_NSLOT]
        ss = sems[_NSLOT:]
        wid = lax.axis_index("s") * _NC + lax.axis_index("c")
        wrow0 = wid * n_chunks
        wbase = wid * b_per_w
        off = wid * 21
        ngroups = n_chunks // _NSLOT

        def stage_idx(g, slot):
            pltpu.sync_copy(idx_hbm.at[pl.ds(wrow0 + g, 1)], idx_v.at[slot])
            for q in range(_C // 16):
                sl = idx_v.at[slot, 0][pl.ds(q * 16, 16)]
                idx_v.at[slot, 0][pl.ds(q * 16, 16)] = sl + off

        def drain_scatter(slot):
            pltpu.make_async_copy(
                rows_v.at[slot], out_hbm.at[pl.ds(wbase, _C)], ss[slot]
            ).wait()

        def body(p, carry):
            g0 = _NSLOT * p
            gcps = []
            for s in range(_NSLOT):

                @pl.when(p >= 1)
                def _(s=s):
                    drain_scatter(s)

                stage_idx(g0 + s, s)
                gcps.append(
                    pltpu.async_copy(
                        table_hbm.at[idx_v.at[s, 0]], rows_v.at[s], sg[s]
                    )
                )
            for s in range(_NSLOT):
                gcps[s].wait()
                pltpu.async_copy(
                    rows_v.at[s],
                    out_hbm.at[pl.ds(wbase + (g0 + s) * _C, _C)],
                    ss[s],
                )
            return carry

        lax.fori_loop(0, ngroups, body, 0)
        for s in range(_NSLOT):
            drain_scatter(s)

    return k(idx2d, table)


def kernel(residue_types, table):
    S, T = residue_types.shape
    B = S * T
    idx2d = residue_types.reshape(B // 128, 128)
    table_rep = jnp.tile(jnp.pad(table, ((0, 0), (0, _DP - _D))), (_NW, 1))
    out = _sc_embed(idx2d, table_rep, B)
    return out[:, :_D].reshape(S, T, _D)

# --- scband reference (transcript-rebuilt; emitter-appended) ---
"""Pipeline reference for scband-residue-type-embedder-10814727651347 (READ-ONLY COPY).

The authoritative reference and input builder live on the scoring server;
editing this copy changes nothing except your own understanding.
"""

import jax, jax.numpy as jnp
import numpy as np

VOCAB_SIZE = 21
EMBED_DIM = 80  # o3.Irreps('32x0e + 16x1e').dim = 32*1 + 16*3

def setup_inputs(seed: int = 0) -> dict:
    key = jax.random.key(seed)
    k1, k2 = jax.random.split(key)
    residue_types = jax.random.randint(k1, (16384, 200), 0, VOCAB_SIZE, dtype=jnp.int64) if jax.config.jax_enable_x64 else jax.random.randint(k1, (16384, 200), 0, VOCAB_SIZE, dtype=jnp.int32)
    table = jax.random.normal(k2, (VOCAB_SIZE, EMBED_DIM), dtype=jnp.float32)
    # padding_idx=0: row 0 is zero, matching nn.Embedding(padding_idx=0) initialization
    table = table.at[0].set(0.0)
    return {"residue_types": residue_types, "table": table}

def reference(residue_types, table):
    # nn.Embedding lookup: res_feats[..., :] = table[residue_types]
    return jnp.take(table, residue_types, axis=0)

if __name__ == "__main__":
    import jax
    _d = setup_inputs()
    print(jax.jit(kernel)(*tuple(_d.values())))

</pallas_src>

<mosaic_0001>
#map = affine_map<(d0, d1) -> (0, 0)>
module attributes {stable_mosaic.version = 14 : i64} {
  func.func @k(%arg0: i32, %arg1: i32, %arg2: memref<25600x128xi32, #tpu.memory_space<hbm>>, %arg3: memref<672x128xf32, #tpu.memory_space<hbm>>, %arg4: memref<3276800x128xf32, #tpu.memory_space<hbm>>, %arg5: memref<5x1x128xi32, #tpu.memory_space<vmem>>, %arg6: memref<5x128x128xf32, #tpu.memory_space<vmem>>, %arg7: memref<!tpu.dma_semaphore, #tpu.memory_space<semaphore_mem>>, %arg8: memref<!tpu.dma_semaphore, #tpu.memory_space<semaphore_mem>>, %arg9: memref<!tpu.dma_semaphore, #tpu.memory_space<semaphore_mem>>, %arg10: memref<!tpu.dma_semaphore, #tpu.memory_space<semaphore_mem>>, %arg11: memref<!tpu.dma_semaphore, #tpu.memory_space<semaphore_mem>>, %arg12: memref<!tpu.dma_semaphore, #tpu.memory_space<semaphore_mem>>, %arg13: memref<!tpu.dma_semaphore, #tpu.memory_space<semaphore_mem>>, %arg14: memref<!tpu.dma_semaphore, #tpu.memory_space<semaphore_mem>>, %arg15: memref<!tpu.dma_semaphore, #tpu.memory_space<semaphore_mem>>, %arg16: memref<!tpu.dma_semaphore, #tpu.memory_space<semaphore_mem>>) attributes {dimension_semantics = [#tpu.dimension_semantics<core_parallel>, #tpu.dimension_semantics<subcore_parallel>], iteration_bounds = array<i64: 2, 16>, scalar_prefetch = 0 : i64, scratch_operands = 12 : i64, tpu.core_type = #tpu.core_type<sc_vector_subcore>, window_params = [{transform_indices = #map}, {transform_indices = #map}, {transform_indices = #map}]} {
    %mul3A = arith.constant 2 : i32
    %mul3A_0 = arith.muli %arg1, %mul3A : i32
    %add3A = arith.addi %mul3A_0, %arg0 : i32
    %mul3A_1 = arith.constant 800 : i32
    %mul3A_2 = arith.muli %add3A, %mul3A_1 : i32
    %mul3A_3 = arith.constant 102400 : i32
    %mul3A_4 = arith.muli %add3A, %mul3A_3 : i32
    %mul3A_5 = arith.constant 21 : i32
    %mul3A_6 = arith.muli %add3A, %mul3A_5 : i32
    %scan3A = arith.constant 0 : i32
    %scan3A_7 = arith.constant 0 : i32
    %scan3A_8 = arith.constant 160 : i32
    %scan3A_9 = arith.addi %scan3A_7, %scan3A_8 : i32
    %scan3A_10 = arith.constant 1 : i32
    scf.for %scan3A_76 = %scan3A_7 to %scan3A_9 step %scan3A_10  : i32 {
      %mul3A_77 = arith.constant 5 : i32
      %mul3A_78 = arith.muli %mul3A_77, %scan3A_76 : i32
      %ge3A = arith.constant 1 : i32
      %ge3A_79 = arith.cmpi sge, %scan3A_76, %ge3A : i32
      %convert_element_type3A = arith.extui %ge3A_79 : i1 to i32
      %cond3A = arith.constant 0 : i32
      %cond3A_80 = arith.cmpi ne, %convert_element_type3A, %cond3A : i32
      scf.if %cond3A_80 {
        %dma_wait3A_1097 = arith.constant 0 : i32
        %dma_wait3A_1098 = arith.constant 0 : i32
        %dma_wait3A_1099 = arith.constant 0 : i32
        %dma_wait3A_1100 = tpu.memref_slice %arg6[%dma_wait3A_1097, %dma_wait3A_1098, %dma_wait3A_1099] : memref<5x128x128xf32, #tpu.memory_space<vmem>> -> memref<1x128x128xf32, #tpu.memory_space<vmem>>
        %dma_wait3A_1101 = tpu.memref_squeeze %dma_wait3A_1100 : memref<1x128x128xf32, #tpu.memory_space<vmem>> -> memref<128x128xf32, #tpu.memory_space<vmem>>
        %dma_wait3A_1102 = arith.constant 0 : i32
        %dma_wait3A_1103 = tpu.memref_slice %arg4[%mul3A_4, %dma_wait3A_1102] : memref<3276800x128xf32, #tpu.memory_space<hbm>> -> memref<128x128xf32, #tpu.memory_space<hbm>>
        %dma_wait3A_1104 = arith.constant 0 : i32
        %dma_wait3A_1105 = tpu.memref_slice %arg4[%mul3A_4, %dma_wait3A_1104] : memref<3276800x128xf32, #tpu.memory_space<hbm>> -> memref<128x128xf32, #tpu.memory_space<hbm>>
        %dma_wait3A_1106 = arith.constant 0 : i32
        %dma_wait3A_1107 = arith.constant 0 : i32
        %dma_wait3A_1108 = tpu.memref_slice %arg6[%dma_wait3A_1097, %dma_wait3A_1106, %dma_wait3A_1107] : memref<5x128x128xf32, #tpu.memory_space<vmem>> -> memref<1x128x128xf32, #tpu.memory_space<vmem>>
        %dma_wait3A_1109 = tpu.memref_squeeze %dma_wait3A_1108 : memref<1x128x128xf32, #tpu.memory_space<vmem>> -> memref<128x128xf32, #tpu.memory_space<vmem>>
        tpu.wait_dma2 semaphore(%arg12 : memref<!tpu.dma_semaphore, #tpu.memory_space<semaphore_mem>>) src(%dma_wait3A_1109 : memref<128x128xf32, #tpu.memory_space<vmem>>) dst(%dma_wait3A_1105 : memref<128x128xf32, #tpu.memory_space<hbm>>)
      } else {
      }
      %add3A_81 = arith.constant 0 : i32
      %add3A_82 = arith.addi %mul3A_78, %add3A_81 : i32
      %add3A_83 = arith.addi %mul3A_2, %add3A_82 : i32
      %run_scoped3A = arith.constant 0 : i32
      "tpu.region"() ({
        %run_scoped3A_1097 = tpu.sem_alloc : memref<!tpu.dma_semaphore, #tpu.memory_space<semaphore_mem>>
        %dma_start3A_1098 = arith.constant 0 : i32
        %dma_start3A_1099 = arith.constant 0 : i32
        %dma_start3A_1100 = tpu.memref_slice %arg5[%run_scoped3A, %dma_start3A_1098, %dma_start3A_1099] : memref<5x1x128xi32, #tpu.memory_space<vmem>> -> memref<1x1x128xi32, #tpu.memory_space<vmem>>
        %dma_start3A_1101 = tpu.memref_squeeze %dma_start3A_1100 : memref<1x1x128xi32, #tpu.memory_space<vmem>> -> memref<1x128xi32, #tpu.memory_space<vmem>>
        %dma_start3A_1102 = arith.constant 0 : i32
        %dma_start3A_1103 = tpu.memref_slice %arg2[%add3A_83, %dma_start3A_1102] : memref<25600x128xi32, #tpu.memory_space<hbm>> -> memref<1x128xi32, #tpu.memory_space<hbm>>
        %dma_start3A_1104 = arith.constant 0 : i32
        %dma_start3A_1105 = arith.constant 0 : i32
        %dma_start3A_1106 = tpu.memref_slice %arg5[%run_scoped3A, %dma_start3A_1104, %dma_start3A_1105] : memref<5x1x128xi32, #tpu.memory_space<vmem>> -> memref<1x1x128xi32, #tpu.memory_space<vmem>>
        %dma_start3A_1107 = tpu.memref_squeeze %dma_start3A_1106 : memref<1x1x128xi32, #tpu.memory_space<vmem>> -> memref<1x128xi32, #tpu.memory_space<vmem>>
        %dma_start3A_1108 = arith.constant 0 : i32
        %dma_start3A_1109 = tpu.memref_slice %arg2[%add3A_83, %dma_start3A_1108] : memref<25600x128xi32, #tpu.memory_space<hbm>> -> memref<1x128xi32, #tpu.memory_space<hbm>>
        tpu.enqueue_dma source(%dma_start3A_1109 : memref<1x128xi32, #tpu.memory_space<hbm>>) target(%dma_start3A_1107 : memref<1x128xi32, #tpu.memory_space<vmem>>) target_semaphore(%run_scoped3A_1097 : memref<!tpu.dma_semaphore, #tpu.memory_space<semaphore_mem>>)
        %dma_wait3A_1110 = arith.constant 0 : i32
        %dma_wait3A_1111 = arith.constant 0 : i32
        %dma_wait3A_1112 = tpu.memref_slice %arg5[%run_scoped3A, %dma_wait3A_1110, %dma_wait3A_1111] : memref<5x1x128xi32, #tpu.memory_space<vmem>> -> memref<1x1x128xi32, #tpu.memory_space<vmem>>
        %dma_wait3A_1113 = tpu.memref_squeeze %dma_wait3A_1112 : memref<1x1x128xi32, #tpu.memory_space<vmem>> -> memref<1x128xi32, #tpu.memory_space<vmem>>
        %dma_wait3A_1114 = arith.constant 0 : i32
        %dma_wait3A_1115 = tpu.memref_slice %arg2[%add3A_83, %dma_wait3A_1114] : memref<25600x128xi32, #tpu.memory_space<hbm>> -> memref<1x128xi32, #tpu.memory_space<hbm>>
        %dma_wait3A_1116 = arith.constant 0 : i32
        %dma_wait3A_1117 = arith.constant 0 : i32
        %dma_wait3A_1118 = tpu.memref_slice %arg5[%run_scoped3A, %dma_wait3A_1116, %dma_wait3A_1117] : memref<5x1x128xi32, #tpu.memory_space<vmem>> -> memref<1x1x128xi32, #tpu.memory_space<vmem>>
        %dma_wait3A_1119 = tpu.memref_squeeze %dma_wait3A_1118 : memref<1x1x128xi32, #tpu.memory_space<vmem>> -> memref<1x128xi32, #tpu.memory_space<vmem>>
        %dma_wait3A_1120 = arith.constant 0 : i32
        %dma_wait3A_1121 = tpu.memref_slice %arg2[%add3A_83, %dma_wait3A_1120] : memref<25600x128xi32, #tpu.memory_space<hbm>> -> memref<1x128xi32, #tpu.memory_space<hbm>>
        tpu.wait_dma2 semaphore(%run_scoped3A_1097 : memref<!tpu.dma_semaphore, #tpu.memory_space<semaphore_mem>>) src(%dma_wait3A_1121 : memref<1x128xi32, #tpu.memory_space<hbm>>) dst(%dma_wait3A_1119 : memref<1x128xi32, #tpu.memory_space<vmem>>)
        tpu.yield
      }) : () -> ()
      %get3A = arith.constant 0 : i32
      %get3A_84 = arith.constant 0 : i32
      %get3A_85 = arith.constant 0 : i32
      %get3A_86 = tpu.memref_slice %arg5[%get3A, %get3A_84, %get3A_85] : memref<5x1x128xi32, #tpu.memory_space<vmem>> -> memref<1x1x128xi32, #tpu.memory_space<vmem>>
      %get3A_87 = tpu.memref_squeeze %get3A_86 : memref<1x1x128xi32, #tpu.memory_space<vmem>> -> memref<128xi32, #tpu.memory_space<vmem>>
      %get3A_88 = arith.constant 0 : index
      %get3A_89 = tpu.vector_load %get3A_87[%get3A_88] {strides = array<i32>} : memref<128xi32, #tpu.memory_space<vmem>>, vector<16xi32>,
      %get3A_90 = vector.shape_cast %get3A_89 : vector<16xi32> to vector<16xi32>
      %add3A_91 = vector.broadcast %mul3A_6 : i32 to vector<16xi32>
      %add3A_92 = arith.addi %get3A_90, %add3A_91 : vector<16xi32>
      %swap3A = arith.constant 0 : i32
      %swap3A_93 = arith.constant 0 : i32
      %swap3A_94 = arith.constant 0 : i32
      %swap3A_95 = tpu.memref_slice %arg5[%swap3A, %swap3A_93, %swap3A_94] : memref<5x1x128xi32, #tpu.memory_space<vmem>> -> memref<1x1x128xi32, #tpu.memory_space<vmem>>
      %swap3A_96 = tpu.memref_squeeze %swap3A_95 : memref<1x1x128xi32, #tpu.memory_space<vmem>> -> memref<128xi32, #tpu.memory_space<vmem>>
      %swap3A_97 = arith.constant 0 : index
      %swap3A_98 = tpu.vector_load %swap3A_96[%swap3A_97] {strides = array<i32>} : memref<128xi32, #tpu.memory_space<vmem>>, vector<16xi32>,
      %swap3A_99 = vector.shape_cast %swap3A_98 : vector<16xi32> to vector<16xi32>
      %swap3A_100 = vector.shape_cast %add3A_92 : vector<16xi32> to vector<16xi32>
      tpu.vector_store %swap3A_96[%swap3A_97], %swap3A_100 {strides = array<i32>} : memref<128xi32, #tpu.memory_space<vmem>>, vector<16xi32>,
      %get3A_101 = arith.constant 0 : i32
      %get3A_102 = arith.constant 0 : i32
      %get3A_103 = arith.constant 0 : i32
      %get3A_104 = tpu.memref_slice %arg5[%get3A_101, %get3A_102, %get3A_103] : memref<5x1x128xi32, #tpu.memory_space<vmem>> -> memref<1x1x128xi32, #tpu.memory_space<vmem>>
      %get3A_105 = tpu.memref_squeeze %get3A_104 : memref<1x1x128xi32, #tpu.memory_space<vmem>> -> memref<128xi32, #tpu.memory_space<vmem>>
      %get3A_106 = arith.constant 16 : index
      %get3A_107 = tpu.vector_load %get3A_105[%get3A_106] {strides = array<i32>} : memref<128xi32, #tpu.memory_space<vmem>>, vector<16xi32>,
      %get3A_108 = vector.shape_cast %get3A_107 : vector<16xi32> to vector<16xi32>
      %add3A_109 = vector.broadcast %mul3A_6 : i32 to vector<16xi32>
      %add3A_110 = arith.addi %get3A_108, %add3A_109 : vector<16xi32>
      %swap3A_111 = arith.constant 0 : i32
      %swap3A_112 = arith.constant 0 : i32
      %swap3A_113 = arith.constant 0 : i32
      %swap3A_114 = tpu.memref_slice %arg5[%swap3A_111, %swap3A_112, %swap3A_113] : memref<5x1x128xi32, #tpu.memory_space<vmem>> -> memref<1x1x128xi32, #tpu.memory_space<vmem>>
      %swap3A_115 = tpu.memref_squeeze %swap3A_114 : memref<1x1x128xi32, #tpu.memory_space<vmem>> -> memref<128xi32, #tpu.memory_space<vmem>>
      %swap3A_116 = arith.constant 16 : index
      %swap3A_117 = tpu.vector_load %swap3A_115[%swap3A_116] {strides = array<i32>} : memref<128xi32, #tpu.memory_space<vmem>>, vector<16xi32>,
      %swap3A_118 = vector.shape_cast %swap3A_117 : vector<16xi32> to vector<16xi32>
      %swap3A_119 = vector.shape_cast %add3A_110 : vector<16xi32> to vector<16xi32>
      tpu.vector_store %swap3A_115[%swap3A_116], %swap3A_119 {strides = array<i32>} : memref<128xi32, #tpu.memory_space<vmem>>, vector<16xi32>,
      %get3A_120 = arith.constant 0 : i32
      %get3A_121 = arith.constant 0 : i32
      %get3A_122 = arith.constant 0 : i32
      %get3A_123 = tpu.memref_slice %arg5[%get3A_120, %get3A_121, %get3A_122] : memref<5x1x128xi32, #tpu.memory_space<vmem>> -> memref<1x1x128xi32, #tpu.memory_space<vmem>>
      %get3A_124 = tpu.memref_squeeze %get3A_123 : memref<1x1x128xi32, #tpu.memory_space<vmem>> -> memref<128xi32, #tpu.memory_space<vmem>>
      %get3A_125 = arith.constant 32 : index
      %get3A_126 = tpu.vector_load %get3A_124[%get3A_125] {strides = array<i32>} : memref<128xi32, #tpu.memory_space<vmem>>, vector<16xi32>,
      %get3A_127 = vector.shape_cast %get3A_126 : vector<16xi32> to vector<16xi32>
      %add3A_128 = vector.broadcast %mul3A_6 : i32 to vector<16xi32>
      %add3A_129 = arith.addi %get3A_127, %add3A_128 : vector<16xi32>
      %swap3A_130 = arith.constant 0 : i32
      %swap3A_131 = arith.constant 0 : i32
      %swap3A_132 = arith.constant 0 : i32
      %swap3A_133 = tpu.memref_slice %arg5[%swap3A_130, %swap3A_131, %swap3A_132] : memref<5x1x128xi32, #tpu.memory_space<vmem>> -> memref<1x1x128xi32, #tpu.memory_space<vmem>>
      %swap3A_134 = tpu.memref_squeeze %swap3A_133 : memref<1x1x128xi32, #tpu.memory_space<vmem>> -> memref<128xi32, #tpu.memory_space<vmem>>
      %swap3A_135 = arith.constant 32 : index
      %swap3A_136 = tpu.vector_load %swap3A_134[%swap3A_135] {strides = array<i32>} : memref<128xi32, #tpu.memory_space<vmem>>, vector<16xi32>,
      %swap3A_137 = vector.shape_cast %swap3A_136 : vector<16xi32> to vector<16xi32>
      %swap3A_138 = vector.shape_cast %add3A_129 : vector<16xi32> to vector<16xi32>
      tpu.vector_store %swap3A_134[%swap3A_135], %swap3A_138 {strides = array<i32>} : memref<128xi32, #tpu.memory_space<vmem>>, vector<16xi32>,
      %get3A_139 = arith.constant 0 : i32
      %get3A_140 = arith.constant 0 : i32
      %get3A_141 = arith.constant 0 : i32
      %get3A_142 = tpu.memref_slice %arg5[%get3A_139, %get3A_140, %get3A_141] : memref<5x1x128xi32, #tpu.memory_space<vmem>> -> memref<1x1x128xi32, #tpu.memory_space<vmem>>
      %get3A_143 = tpu.memref_squeeze %get3A_142 : memref<1x1x128xi32, #tpu.memory_space<vmem>> -> memref<128xi32, #tpu.memory_space<vmem>>
      %get3A_144 = arith.constant 48 : index
      %get3A_145 = tpu.vector_load %get3A_143[%get3A_144] {strides = array<i32>} : memref<128xi32, #tpu.memory_space<vmem>>, vector<16xi32>,
      %get3A_146 = vector.shape_cast %get3A_145 : vector<16xi32> to vector<16xi32>
      %add3A_147 = vector.broadcast %mul3A_6 : i32 to vector<16xi32>
      %add3A_148 = arith.addi %get3A_146, %add3A_147 : vector<16xi32>
      %swap3A_149 = arith.constant 0 : i32
      %swap3A_150 = arith.constant 0 : i32
      %swap3A_151 = arith.constant 0 : i32
      %swap3A_152 = tpu.memref_slice %arg5[%swap3A_149, %swap3A_150, %swap3A_151] : memref<5x1x128xi32, #tpu.memory_space<vmem>> -> memref<1x1x128xi32, #tpu.memory_space<vmem>>
      %swap3A_153 = tpu.memref_squeeze %swap3A_152 : memref<1x1x128xi32, #tpu.memory_space<vmem>> -> memref<128xi32, #tpu.memory_space<vmem>>
      %swap3A_154 = arith.constant 48 : index
      %swap3A_155 = tpu.vector_load %swap3A_153[%swap3A_154] {strides = array<i32>} : memref<128xi32, #tpu.memory_space<vmem>>, vector<16xi32>,
      %swap3A_156 = vector.shape_cast %swap3A_155 : vector<16xi32> to vector<16xi32>
      %swap3A_157 = vector.shape_cast %add3A_148 : vector<16xi32> to vector<16xi32>
      tpu.vector_store %swap3A_153[%swap3A_154], %swap3A_157 {strides = array<i32>} : memref<128xi32, #tpu.memory_space<vmem>>, vector<16xi32>,
      %get3A_158 = arith.constant 0 : i32
      %get3A_159 = arith.constant 0 : i32
      %get3A_160 = arith.constant 0 : i32
      %get3A_161 = tpu.memref_slice %arg5[%get3A_158, %get3A_159, %get3A_160] : memref<5x1x128xi32, #tpu.memory_space<vmem>> -> memref<1x1x128xi32, #tpu.memory_space<vmem>>
      %get3A_162 = tpu.memref_squeeze %get3A_161 : memref<1x1x128xi32, #tpu.memory_space<vmem>> -> memref<128xi32, #tpu.memory_space<vmem>>
      %get3A_163 = arith.constant 64 : index
      %get3A_164 = tpu.vector_load %get3A_162[%get3A_163] {strides = array<i32>} : memref<128xi32, #tpu.memory_space<vmem>>, vector<16xi32>,
      %get3A_165 = vector.shape_cast %get3A_164 : vector<16xi32> to vector<16xi32>
      %add3A_166 = vector.broadcast %mul3A_6 : i32 to vector<16xi32>
      %add3A_167 = arith.addi %get3A_165, %add3A_166 : vector<16xi32>
      %swap3A_168 = arith.constant 0 : i32
      %swap3A_169 = arith.constant 0 : i32
      %swap3A_170 = arith.constant 0 : i32
      %swap3A_171 = tpu.memref_slice %arg5[%swap3A_168, %swap3A_169, %swap3A_170] : memref<5x1x128xi32, #tpu.memory_space<vmem>> -> memref<1x1x128xi32, #tpu.memory_space<vmem>>
      %swap3A_172 = tpu.memref_squeeze %swap3A_171 : memref<1x1x128xi32, #tpu.memory_space<vmem>> -> memref<128xi32, #tpu.memory_space<vmem>>
      %swap3A_173 = arith.constant 64 : index
      %swap3A_174 = tpu.vector_load %swap3A_172[%swap3A_173] {strides = array<i32>} : memref<128xi32, #tpu.memory_space<vmem>>, vector<16xi32>,
      %swap3A_175 = vector.shape_cast %swap3A_174 : vector<16xi32> to vector<16xi32>
      %swap3A_176 = vector.shape_cast %add3A_167 : vector<16xi32> to vector<16xi32>
      tpu.vector_store %swap3A_172[%swap3A_173], %swap3A_176 {strides = array<i32>} : memref<128xi32, #tpu.memory_space<vmem>>, vector<16xi32>,
      %get3A_177 = arith.constant 0 : i32
      %get3A_178 = arith.constant 0 : i32
      %get3A_179 = arith.constant 0 : i32
      %get3A_180 = tpu.memref_slice %arg5[%get3A_177, %get3A_178, %get3A_179] : memref<5x1x128xi32, #tpu.memory_space<vmem>> -> memref<1x1x128xi32, #tpu.memory_space<vmem>>
      %get3A_181 = tpu.memref_squeeze %get3A_180 : memref<1x1x128xi32, #tpu.memory_space<vmem>> -> memref<128xi32, #tpu.memory_space<vmem>>
      %get3A_182 = arith.constant 80 : index
      %get3A_183 = tpu.vector_load %get3A_181[%get3A_182] {strides = array<i32>} : memref<128xi32, #tpu.memory_space<vmem>>, vector<16xi32>,
      %get3A_184 = vector.shape_cast %get3A_183 : vector<16xi32> to vector<16xi32>
      %add3A_185 = vector.broadcast %mul3A_6 : i32 to vector<16xi32>
      %add3A_186 = arith.addi %get3A_184, %add3A_185 : vector<16xi32>
      %swap3A_187 = arith.constant 0 : i32
      %swap3A_188 = arith.constant 0 : i32
      %swap3A_189 = arith.constant 0 : i32
      %swap3A_190 = tpu.memref_slice %arg5[%swap3A_187, %swap3A_188, %swap3A_189] : memref<5x1x128xi32, #tpu.memory_space<vmem>> -> memref<1x1x128xi32, #tpu.memory_space<vmem>>
      %swap3A_191 = tpu.memref_squeeze %swap3A_190 : memref<1x1x128xi32, #tpu.memory_space<vmem>> -> memref<128xi32, #tpu.memory_space<vmem>>
      %swap3A_192 = arith.constant 80 : index
      %swap3A_193 = tpu.vector_load %swap3A_191[%swap3A_192] {strides = array<i32>} : memref<128xi32, #tpu.memory_space<vmem>>, vector<16xi32>,
      %swap3A_194 = vector.shape_cast %swap3A_193 : vector<16xi32> to vector<16xi32>
      %swap3A_195 = vector.shape_cast %add3A_186 : vector<16xi32> to vector<16xi32>
      tpu.vector_store %swap3A_191[%swap3A_192], %swap3A_195 {strides = array<i32>} : memref<128xi32, #tpu.memory_space<vmem>>, vector<16xi32>,
      %get3A_196 = arith.constant 0 : i32
      %get3A_197 = arith.constant 0 : i32
      %get3A_198 = arith.constant 0 : i32
      %get3A_199 = tpu.memref_slice %arg5[%get3A_196, %get3A_197, %get3A_198] : memref<5x1x128xi32, #tpu.memory_space<vmem>> -> memref<1x1x128xi32, #tpu.memory_space<vmem>>
      %get3A_200 = tpu.memref_squeeze %get3A_199 : memref<1x1x128xi32, #tpu.memory_space<vmem>> -> memref<128xi32, #tpu.memory_space<vmem>>
      %get3A_201 = arith.constant 96 : index
      %get3A_202 = tpu.vector_load %get3A_200[%get3A_201] {strides = array<i32>} : memref<128xi32, #tpu.memory_space<vmem>>, vector<16xi32>,
      %get3A_203 = vector.shape_cast %get3A_202 : vector<16xi32> to vector<16xi32>
      %add3A_204 = vector.broadcast %mul3A_6 : i32 to vector<16xi32>
      %add3A_205 = arith.addi %get3A_203, %add3A_204 : vector<16xi32>
      %swap3A_206 = arith.constant 0 : i32
      %swap3A_207 = arith.constant 0 : i32
      %swap3A_208 = arith.constant 0 : i32
      %swap3A_209 = tpu.memref_slice %arg5[%swap3A_206, %swap3A_207, %swap3A_208] : memref<5x1x128xi32, #tpu.memory_space<vmem>> -> memref<1x1x128xi32, #tpu.memory_space<vmem>>
      %swap3A_210 = tpu.memref_squeeze %swap3A_209 : memref<1x1x128xi32, #tpu.memory_space<vmem>> -> memref<128xi32, #tpu.memory_space<vmem>>
      %swap3A_211 = arith.constant 96 : index
      %swap3A_212 = tpu.vector_load %swap3A_210[%swap3A_211] {strides = array<i32>} : memref<128xi32, #tpu.memory_space<vmem>>, vector<16xi32>,
      %swap3A_213 = vector.shape_cast %swap3A_212 : vector<16xi32> to vector<16xi32>
      %swap3A_214 = vector.shape_cast %add3A_205 : vector<16xi32> to vector<16xi32>
      tpu.vector_store %swap3A_210[%swap3A_211], %swap3A_214 {strides = array<i32>} : memref<128xi32, #tpu.memory_space<vmem>>, vector<16xi32>,
      %get3A_215 = arith.constant 0 : i32
      %get3A_216 = arith.constant 0 : i32
      %get3A_217 = arith.constant 0 : i32
      %get3A_218 = tpu.memref_slice %arg5[%get3A_215, %get3A_216, %get3A_217] : memref<5x1x128xi32, #tpu.memory_space<vmem>> -> memref<1x1x128xi32, #tpu.memory_space<vmem>>
      %get3A_219 = tpu.memref_squeeze %get3A_218 : memref<1x1x128xi32, #tpu.memory_space<vmem>> -> memref<128xi32, #tpu.memory_space<vmem>>
      %get3A_220 = arith.constant 112 : index
      %get3A_221 = tpu.vector_load %get3A_219[%get3A_220] {strides = array<i32>} : memref<128xi32, #tpu.memory_space<vmem>>, vector<16xi32>,
      %get3A_222 = vector.shape_cast %get3A_221 : vector<16xi32> to vector<16xi32>
      %add3A_223 = vector.broadcast %mul3A_6 : i32 to vector<16xi32>
      %add3A_224 = arith.addi %get3A_222, %add3A_223 : vector<16xi32>
      %swap3A_225 = arith.constant 0 : i32
      %swap3A_226 = arith.constant 0 : i32
      %swap3A_227 = arith.constant 0 : i32
      %swap3A_228 = tpu.memref_slice %arg5[%swap3A_225, %swap3A_226, %swap3A_227] : memref<5x1x128xi32, #tpu.memory_space<vmem>> -> memref<1x1x128xi32, #tpu.memory_space<vmem>>
      %swap3A_229 = tpu.memref_squeeze %swap3A_228 : memref<1x1x128xi32, #tpu.memory_space<vmem>> -> memref<128xi32, #tpu.memory_space<vmem>>
      %swap3A_230 = arith.constant 112 : index
      %swap3A_231 = tpu.vector_load %swap3A_229[%swap3A_230] {strides = array<i32>} : memref<128xi32, #tpu.memory_space<vmem>>, vector<16xi32>,
      %swap3A_232 = vector.shape_cast %swap3A_231 : vector<16xi32> to vector<16xi32>
      %swap3A_233 = vector.shape_cast %add3A_224 : vector<16xi32> to vector<16xi32>
      tpu.vector_store %swap3A_229[%swap3A_230], %swap3A_233 {strides = array<i32>} : memref<128xi32, #tpu.memory_space<vmem>>, vector<16xi32>,
      %dma_start3A = arith.constant 0 : i32
      %dma_start3A_234 = arith.constant 0 : i32
      %dma_start3A_235 = arith.constant 0 : i32
      %dma_start3A_236 = arith.constant 0 : i32
      %dma_start3A_237 = arith.constant 0 : i32
      %dma_start3A_238 = tpu.memref_slice %arg6[%dma_start3A_235, %dma_start3A_236, %dma_start3A_237] : memref<5x128x128xf32, #tpu.memory_space<vmem>> -> memref<1x128x128xf32, #tpu.memory_space<vmem>>
      %dma_start3A_239 = tpu.memref_squeeze %dma_start3A_238 : memref<1x128x128xf32, #tpu.memory_space<vmem>> -> memref<128x128xf32, #tpu.memory_space<vmem>>
      %dma_start3A_240 = arith.constant 0 : i32
      %dma_start3A_241 = tpu.memref_slice %arg5[%dma_start3A, %dma_start3A_234, %dma_start3A_240] : memref<5x1x128xi32, #tpu.memory_space<vmem>> -> memref<1x1x128xi32, #tpu.memory_space<vmem>>
      %dma_start3A_242 = tpu.memref_squeeze %dma_start3A_241 : memref<1x1x128xi32, #tpu.memory_space<vmem>> -> memref<128xi32, #tpu.memory_space<vmem>>
      %dma_start3A_243 = arith.constant 0 : i32
      %dma_start3A_244 = arith.constant 0 : i32
      %dma_start3A_245 = tpu.memref_slice %arg3[%dma_start3A_243, %dma_start3A_244] : memref<672x128xf32, #tpu.memory_space<hbm>> -> memref<672x128xf32, #tpu.memory_space<hbm>>
      tpu.enqueue_indirect_dma source(%dma_start3A_245 : memref<672x128xf32, #tpu.memory_space<hbm>>) target(%dma_start3A_239 : memref<128x128xf32, #tpu.memory_space<vmem>>) offsets(%dma_start3A_242 : memref<128xi32, #tpu.memory_space<vmem>>) semaphore(%arg7 : memref<!tpu.dma_semaphore, #tpu.memory_space<semaphore_mem>>)
      %ge3A_246 = arith.constant 1 : i32
      %ge3A_247 = arith.cmpi sge, %scan3A_76, %ge3A_246 : i32
      %convert_element_type3A_248 = arith.extui %ge3A_247 : i1 to i32
      %cond3A_249 = arith.constant 0 : i32
      %cond3A_250 = arith.cmpi ne, %convert_element_type3A_248, %cond3A_249 : i32
      scf.if %cond3A_250 {
        %dma_wait3A_1097 = arith.constant 1 : i32
        %dma_wait3A_1098 = arith.constant 0 : i32
        %dma_wait3A_1099 = arith.constant 0 : i32
        %dma_wait3A_1100 = tpu.memref_slice %arg6[%dma_wait3A_1097, %dma_wait3A_1098, %dma_wait3A_1099] : memref<5x128x128xf32, #tpu.memory_space<vmem>> -> memref<1x128x128xf32, #tpu.memory_space<vmem>>
        %dma_wait3A_1101 = tpu.memref_squeeze %dma_wait3A_1100 : memref<1x128x128xf32, #tpu.memory_space<vmem>> -> memref<128x128xf32, #tpu.memory_space<vmem>>
        %dma_wait3A_1102 = arith.constant 0 : i32
        %dma_wait3A_1103 = tpu.memref_slice %arg4[%mul3A_4, %dma_wait3A_1102] : memref<3276800x128xf32, #tpu.memory_space<hbm>> -> memref<128x128xf32, #tpu.memory_space<hbm>>
        %dma_wait3A_1104 = arith.constant 0 : i32
        %dma_wait3A_1105 = tpu.memref_slice %arg4[%mul3A_4, %dma_wait3A_1104] : memref<3276800x128xf32, #tpu.memory_space<hbm>> -> memref<128x128xf32, #tpu.memory_space<hbm>>
        %dma_wait3A_1106 = arith.constant 0 : i32
        %dma_wait3A_1107 = arith.constant 0 : i32
        %dma_wait3A_1108 = tpu.memref_slice %arg6[%dma_wait3A_1097, %dma_wait3A_1106, %dma_wait3A_1107] : memref<5x128x128xf32, #tpu.memory_space<vmem>> -> memref<1x128x128xf32, #tpu.memory_space<vmem>>
        %dma_wait3A_1109 = tpu.memref_squeeze %dma_wait3A_1108 : memref<1x128x128xf32, #tpu.memory_space<vmem>> -> memref<128x128xf32, #tpu.memory_space<vmem>>
        tpu.wait_dma2 semaphore(%arg13 : memref<!tpu.dma_semaphore, #tpu.memory_space<semaphore_mem>>) src(%dma_wait3A_1109 : memref<128x128xf32, #tpu.memory_space<vmem>>) dst(%dma_wait3A_1105 : memref<128x128xf32, #tpu.memory_space<hbm>>)
      } else {
      }
      %add3A_251 = arith.constant 1 : i32
      %add3A_252 = arith.addi %mul3A_78, %add3A_251 : i32
      %add3A_253 = arith.addi %mul3A_2, %add3A_252 : i32
      %run_scoped3A_254 = arith.constant 1 : i32
      "tpu.region"() ({
        %run_scoped3A_1097 = tpu.sem_alloc : memref<!tpu.dma_semaphore, #tpu.memory_space<semaphore_mem>>
        %dma_start3A_1098 = arith.constant 0 : i32
        %dma_start3A_1099 = arith.constant 0 : i32
        %dma_start3A_1100 = tpu.memref_slice %arg5[%run_scoped3A_254, %dma_start3A_1098, %dma_start3A_1099] : memref<5x1x128xi32, #tpu.memory_space<vmem>> -> memref<1x1x128xi32, #tpu.memory_space<vmem>>
        %dma_start3A_1101 = tpu.memref_squeeze %dma_start3A_1100 : memref<1x1x128xi32, #tpu.memory_space<vmem>> -> memref<1x128xi32, #tpu.memory_space<vmem>>
        %dma_start3A_1102 = arith.constant 0 : i32
        %dma_start3A_1103 = tpu.memref_slice %arg2[%add3A_253, %dma_start3A_1102] : memref<25600x128xi32, #tpu.memory_space<hbm>> -> memref<1x128xi32, #tpu.memory_space<hbm>>
        %dma_start3A_1104 = arith.constant 0 : i32
        %dma_start3A_1105 = arith.constant 0 : i32
        %dma_start3A_1106 = tpu.memref_slice %arg5[%run_scoped3A_254, %dma_start3A_1104, %dma_start3A_1105] : memref<5x1x128xi32, #tpu.memory_space<vmem>> -> memref<1x1x128xi32, #tpu.memory_space<vmem>>
        %dma_start3A_1107 = tpu.memref_squeeze %dma_start3A_1106 : memref<1x1x128xi32, #tpu.memory_space<vmem>> -> memref<1x128xi32, #tpu.memory_space<vmem>>
        %dma_start3A_1108 = arith.constant 0 : i32
        %dma_start3A_1109 = tpu.memref_slice %arg2[%add3A_253, %dma_start3A_1108] : memref<25600x128xi32, #tpu.memory_space<hbm>> -> memref<1x128xi32, #tpu.memory_space<hbm>>
        tpu.enqueue_dma source(%dma_start3A_1109 : memref<1x128xi32, #tpu.memory_space<hbm>>) target(%dma_start3A_1107 : memref<1x128xi32, #tpu.memory_space<vmem>>) target_semaphore(%run_scoped3A_1097 : memref<!tpu.dma_semaphore, #tpu.memory_space<semaphore_mem>>)
        %dma_wait3A_1110 = arith.constant 0 : i32
        %dma_wait3A_1111 = arith.constant 0 : i32
        %dma_wait3A_1112 = tpu.memref_slice %arg5[%run_scoped3A_254, %dma_wait3A_1110, %dma_wait3A_1111] : memref<5x1x128xi32, #tpu.memory_space<vmem>> -> memref<1x1x128xi32, #tpu.memory_space<vmem>>
        %dma_wait3A_1113 = tpu.memref_squeeze %dma_wait3A_1112 : memref<1x1x128xi32, #tpu.memory_space<vmem>> -> memref<1x128xi32, #tpu.memory_space<vmem>>
        %dma_wait3A_1114 = arith.constant 0 : i32
        %dma_wait3A_1115 = tpu.memref_slice %arg2[%add3A_253, %dma_wait3A_1114] : memref<25600x128xi32, #tpu.memory_space<hbm>> -> memref<1x128xi32, #tpu.memory_space<hbm>>
        %dma_wait3A_1116 = arith.constant 0 : i32
        %dma_wait3A_1117 = arith.constant 0 : i32
        %dma_wait3A_1118 = tpu.memref_slice %arg5[%run_scoped3A_254, %dma_wait3A_1116, %dma_wait3A_1117] : memref<5x1x128xi32, #tpu.memory_space<vmem>> -> memref<1x1x128xi32, #tpu.memory_space<vmem>>
        %dma_wait3A_1119 = tpu.memref_squeeze %dma_wait3A_1118 : memref<1x1x128xi32, #tpu.memory_space<vmem>> -> memref<1x128xi32, #tpu.memory_space<vmem>>
        %dma_wait3A_1120 = arith.constant 0 : i32
        %dma_wait3A_1121 = tpu.memref_slice %arg2[%add3A_253, %dma_wait3A_1120] : memref<25600x128xi32, #tpu.memory_space<hbm>> -> memref<1x128xi32, #tpu.memory_space<hbm>>
        tpu.wait_dma2 semaphore(%run_scoped3A_1097 : memref<!tpu.dma_semaphore, #tpu.memory_space<semaphore_mem>>) src(%dma_wait3A_1121 : memref<1x128xi32, #tpu.memory_space<hbm>>) dst(%dma_wait3A_1119 : memref<1x128xi32, #tpu.memory_space<vmem>>)
        tpu.yield
      }) : () -> ()
      %get3A_255 = arith.constant 1 : i32
      %get3A_256 = arith.constant 0 : i32
      %get3A_257 = arith.constant 0 : i32
      %get3A_258 = tpu.memref_slice %arg5[%get3A_255, %get3A_256, %get3A_257] : memref<5x1x128xi32, #tpu.memory_space<vmem>> -> memref<1x1x128xi32, #tpu.memory_space<vmem>>
      %get3A_259 = tpu.memref_squeeze %get3A_258 : memref<1x1x128xi32, #tpu.memory_space<vmem>> -> memref<128xi32, #tpu.memory_space<vmem>>
      %get3A_260 = arith.constant 0 : index
      %get3A_261 = tpu.vector_load %get3A_259[%get3A_260] {strides = array<i32>} : memref<128xi32, #tpu.memory_space<vmem>>, vector<16xi32>,
      %get3A_262 = vector.shape_cast %get3A_261 : vector<16xi32> to vector<16xi32>
      %add3A_263 = vector.broadcast %mul3A_6 : i32 to vector<16xi32>
      %add3A_264 = arith.addi %get3A_262, %add3A_263 : vector<16xi32>
      %swap3A_265 = arith.constant 1 : i32
      %swap3A_266 = arith.constant 0 : i32
      %swap3A_267 = arith.constant 0 : i32
      %swap3A_268 = tpu.memref_slice %arg5[%swap3A_265, %swap3A_266, %swap3A_267] : memref<5x1x128xi32, #tpu.memory_space<vmem>> -> memref<1x1x128xi32, #tpu.memory_space<vmem>>
      %swap3A_269 = tpu.memref_squeeze %swap3A_268 : memref<1x1x128xi32, #tpu.memory_space<vmem>> -> memref<128xi32, #tpu.memory_space<vmem>>
      %swap3A_270 = arith.constant 0 : index
      %swap3A_271 = tpu.vector_load %swap3A_269[%swap3A_270] {strides = array<i32>} : memref<128xi32, #tpu.memory_space<vmem>>, vector<16xi32>,
      %swap3A_272 = vector.shape_cast %swap3A_271 : vector<16xi32> to vector<16xi32>
      %swap3A_273 = vector.shape_cast %add3A_264 : vector<16xi32> to vector<16xi32>
      tpu.vector_store %swap3A_269[%swap3A_270], %swap3A_273 {strides = array<i32>} : memref<128xi32, #tpu.memory_space<vmem>>, vector<16xi32>,
      %get3A_274 = arith.constant 1 : i32
      %get3A_275 = arith.constant 0 : i32
      %get3A_276 = arith.constant 0 : i32
      %get3A_277 = tpu.memref_slice %arg5[%get3A_274, %get3A_275, %get3A_276] : memref<5x1x128xi32, #tpu.memory_space<vmem>> -> memref<1x1x128xi32, #tpu.memory_space<vmem>>
      %get3A_278 = tpu.memref_squeeze %get3A_277 : memref<1x1x128xi32, #tpu.memory_space<vmem>> -> memref<128xi32, #tpu.memory_space<vmem>>
      %get3A_279 = arith.constant 16 : index
      %get3A_280 = tpu.vector_load %get3A_278[%get3A_279] {strides = array<i32>} : memref<128xi32, #tpu.memory_space<vmem>>, vector<16xi32>,
      %get3A_281 = vector.shape_cast %get3A_280 : vector<16xi32> to vector<16xi32>
      %add3A_282 = vector.broadcast %mul3A_6 : i32 to vector<16xi32>
      %add3A_283 = arith.addi %get3A_281, %add3A_282 : vector<16xi32>
      %swap3A_284 = arith.constant 1 : i32
      %swap3A_285 = arith.constant 0 : i32
      %swap3A_286 = arith.constant 0 : i32
      %swap3A_287 = tpu.memref_slice %arg5[%swap3A_284, %swap3A_285, %swap3A_286] : memref<5x1x128xi32, #tpu.memory_space<vmem>> -> memref<1x1x128xi32, #tpu.memory_space<vmem>>
      %swap3A_288 = tpu.memref_squeeze %swap3A_287 : memref<1x1x128xi32, #tpu.memory_space<vmem>> -> memref<128xi32, #tpu.memory_space<vmem>>
      %swap3A_289 = arith.constant 16 : index
      %swap3A_290 = tpu.vector_load %swap3A_288[%swap3A_289] {strides = array<i32>} : memref<128xi32, #tpu.memory_space<vmem>>, vector<16xi32>,
      %swap3A_291 = vector.shape_cast %swap3A_290 : vector<16xi32> to vector<16xi32>
      %swap3A_292 = vector.shape_cast %add3A_283 : vector<16xi32> to vector<16xi32>
      tpu.vector_store %swap3A_288[%swap3A_289], %swap3A_292 {strides = array<i32>} : memref<128xi32, #tpu.memory_space<vmem>>, vector<16xi32>,
      %get3A_293 = arith.constant 1 : i32
      %get3A_294 = arith.constant 0 : i32
      %get3A_295 = arith.constant 0 : i32
      %get3A_296 = tpu.memref_slice %arg5[%get3A_293, %get3A_294, %get3A_295] : memref<5x1x128xi32, #tpu.memory_space<vmem>> -> memref<1x1x128xi32, #tpu.memory_space<vmem>>
      %get3A_297 = tpu.memref_squeeze %get3A_296 : memref<1x1x128xi32, #tpu.memory_space<vmem>> -> memref<128xi32, #tpu.memory_space<vmem>>
      %get3A_298 = arith.constant 32 : index
      %get3A_299 = tpu.vector_load %get3A_297[%get3A_298] {strides = array<i32>} : memref<128xi32, #tpu.memory_space<vmem>>, vector<16xi32>,
      %get3A_300 = vector.shape_cast %get3A_299 : vector<16xi32> to vector<16xi32>
      %add3A_301 = vector.broadcast %mul3A_6 : i32 to vector<16xi32>
      %add3A_302 = arith.addi %get3A_300, %add3A_301 : vector<16xi32>
      %swap3A_303 = arith.constant 1 : i32
      %swap3A_304 = arith.constant 0 : i32
      %swap3A_305 = arith.constant 0 : i32
      %swap3A_306 = tpu.memref_slice %arg5[%swap3A_303, %swap3A_304, %swap3A_305] : memref<5x1x128xi32, #tpu.memory_space<vmem>> -> memref<1x1x128xi32, #tpu.memory_space<vmem>>
      %swap3A_307 = tpu.memref_squeeze %swap3A_306 : memref<1x1x128xi32, #tpu.memory_space<vmem>> -> memref<128xi32, #tpu.memory_space<vmem>>
      %swap3A_308 = arith.constant 32 : index
      %swap3A_309 = tpu.vector_load %swap3A_307[%swap3A_308] {strides = array<i32>} : memref<128xi32, #tpu.memory_space<vmem>>, vector<16xi32>,
      %swap3A_310 = vector.shape_cast %swap3A_309 : vector<16xi32> to vector<16xi32>
      %swap3A_311 = vector.shape_cast %add3A_302 : vector<16xi32> to vector<16xi32>
      tpu.vector_store %swap3A_307[%swap3A_308], %swap3A_311 {strides = array<i32>} : memref<128xi32, #tpu.memory_space<vmem>>, vector<16xi32>,
      %get3A_312 = arith.constant 1 : i32
      %get3A_313 = arith.constant 0 : i32
      %get3A_314 = arith.constant 0 : i32
      %get3A_315 = tpu.memref_slice %arg5[%get3A_312, %get3A_313, %get3A_314] : memref<5x1x128xi32, #tpu.memory_space<vmem>> -> memref<1x1x128xi32, #tpu.memory_space<vmem>>
      %get3A_316 = tpu.memref_squeeze %get3A_315 : memref<1x1x128xi32, #tpu.memory_space<vmem>> -> memref<128xi32, #tpu.memory_space<vmem>>
      %get3A_317 = arith.constant 48 : index
      %get3A_318 = tpu.vector_load %get3A_316[%get3A_317] {strides = array<i32>} : memref<128xi32, #tpu.memory_space<vmem>>, vector<16xi32>,
      %get3A_319 = vector.shape_cast %get3A_318 : vector<16xi32> to vector<16xi32>
      %add3A_320 = vector.broadcast %mul3A_6 : i32 to vector<16xi32>
      %add3A_321 = arith.addi %get3A_319, %add3A_320 : vector<16xi32>
      %swap3A_322 = arith.constant 1 : i32
      %swap3A_323 = arith.constant 0 : i32
      %swap3A_324 = arith.constant 0 : i32
      %swap3A_325 = tpu.memref_slice %arg5[%swap3A_322, %swap3A_323, %swap3A_324] : memref<5x1x128xi32, #tpu.memory_space<vmem>> -> memref<1x1x128xi32, #tpu.memory_space<vmem>>
      %swap3A_326 = tpu.memref_squeeze %swap3A_325 : memref<1x1x128xi32, #tpu.memory_space<vmem>> -> memref<128xi32, #tpu.memory_space<vmem>>
      %swap3A_327 = arith.constant 48 : index
      %swap3A_328 = tpu.vector_load %swap3A_326[%swap3A_327] {strides = array<i32>} : memref<128xi32, #tpu.memory_space<vmem>>, vector<16xi32>,
      %swap3A_329 = vector.shape_cast %swap3A_328 : vector<16xi32> to vector<16xi32>
      %swap3A_330 = vector.shape_cast %add3A_321 : vector<16xi32> to vector<16xi32>
      tpu.vector_store %swap3A_326[%swap3A_327], %swap3A_330 {strides = array<i32>} : memref<128xi32, #tpu.memory_space<vmem>>, vector<16xi32>,
      %get3A_331 = arith.constant 1 : i32
      %get3A_332 = arith.constant 0 : i32
      %get3A_333 = arith.constant 0 : i32
      %get3A_334 = tpu.memref_slice %arg5[%get3A_331, %get3A_332, %get3A_333] : memref<5x1x128xi32, #tpu.memory_space<vmem>> -> memref<1x1x128xi32, #tpu.memory_space<vmem>>
      %get3A_335 = tpu.memref_squeeze %get3A_334 : memref<1x1x128xi32, #tpu.memory_space<vmem>> -> memref<128xi32, #tpu.memory_space<vmem>>
      %get3A_336 = arith.constant 64 : index
      %get3A_337 = tpu.vector_load %get3A_335[%get3A_336] {strides = array<i32>} : memref<128xi32, #tpu.memory_space<vmem>>, vector<16xi32>,
      %get3A_338 = vector.shape_cast %get3A_337 : vector<16xi32> to vector<16xi32>
      %add3A_339 = vector.broadcast %mul3A_6 : i32 to vector<16xi32>
      %add3A_340 = arith.addi %get3A_338, %add3A_339 : vector<16xi32>
      %swap3A_341 = arith.constant 1 : i32
      %swap3A_342 = arith.constant 0 : i32
      %swap3A_343 = arith.constant 0 : i32
      %swap3A_344 = tpu.memref_slice %arg5[%swap3A_341, %swap3A_342, %swap3A_343] : memref<5x1x128xi32, #tpu.memory_space<vmem>> -> memref<1x1x128xi32, #tpu.memory_space<vmem>>
      %swap3A_345 = tpu.memref_squeeze %swap3A_344 : memref<1x1x128xi32, #tpu.memory_space<vmem>> -> memref<128xi32, #tpu.memory_space<vmem>>
      %swap3A_346 = arith.constant 64 : index
      %swap3A_347 = tpu.vector_load %swap3A_345[%swap3A_346] {strides = array<i32>} : memref<128xi32, #tpu.memory_space<vmem>>, vector<16xi32>,
      %swap3A_348 = vector.shape_cast %swap3A_347 : vector<16xi32> to vector<16xi32>
      %swap3A_349 = vector.shape_cast %add3A_340 : vector<16xi32> to vector<16xi32>
      tpu.vector_store %swap3A_345[%swap3A_346], %swap3A_349 {strides = array<i32>} : memref<128xi32, #tpu.memory_space<vmem>>, vector<16xi32>,
      %get3A_350 = arith.constant 1 : i32
      %get3A_351 = arith.constant 0 : i32
      %get3A_352 = arith.constant 0 : i32
      %get3A_353 = tpu.memref_slice %arg5[%get3A_350, %get3A_351, %get3A_352] : memref<5x1x128xi32, #tpu.memory_space<vmem>> -> memref<1x1x128xi32, #tpu.memory_space<vmem>>
      %get3A_354 = tpu.memref_squeeze %get3A_353 : memref<1x1x128xi32, #tpu.memory_space<vmem>> -> memref<128xi32, #tpu.memory_space<vmem>>
      %get3A_355 = arith.constant 80 : index
      %get3A_356 = tpu.vector_load %get3A_354[%get3A_355] {strides = array<i32>} : memref<128xi32, #tpu.memory_space<vmem>>, vector<16xi32>,
      %get3A_357 = vector.shape_cast %get3A_356 : vector<16xi32> to vector<16xi32>
      %add3A_358 = vector.broadcast %mul3A_6 : i32 to vector<16xi32>
      %add3A_359 = arith.addi %get3A_357, %add3A_358 : vector<16xi32>
      %swap3A_360 = arith.constant 1 : i32
      %swap3A_361 = arith.constant 0 : i32
      %swap3A_362 = arith.constant 0 : i32
      %swap3A_363 = tpu.memref_slice %arg5[%swap3A_360, %swap3A_361, %swap3A_362] : memref<5x1x128xi32, #tpu.memory_space<vmem>> -> memref<1x1x128xi32, #tpu.memory_space<vmem>>
      %swap3A_364 = tpu.memref_squeeze %swap3A_363 : memref<1x1x128xi32, #tpu.memory_space<vmem>> -> memref<128xi32, #tpu.memory_space<vmem>>
      %swap3A_365 = arith.constant 80 : index
      %swap3A_366 = tpu.vector_load %swap3A_364[%swap3A_365] {strides = array<i32>} : memref<128xi32, #tpu.memory_space<vmem>>, vector<16xi32>,
      %swap3A_367 = vector.shape_cast %swap3A_366 : vector<16xi32> to vector<16xi32>
      %swap3A_368 = vector.shape_cast %add3A_359 : vector<16xi32> to vector<16xi32>
      tpu.vector_store %swap3A_364[%swap3A_365], %swap3A_368 {strides = array<i32>} : memref<128xi32, #tpu.memory_space<vmem>>, vector<16xi32>,
      %get3A_369 = arith.constant 1 : i32
      %get3A_370 = arith.constant 0 : i32
      %get3A_371 = arith.constant 0 : i32
      %get3A_372 = tpu.memref_slice %arg5[%get3A_369, %get3A_370, %get3A_371] : memref<5x1x128xi32, #tpu.memory_space<vmem>> -> memref<1x1x128xi32, #tpu.memory_space<vmem>>
      %get3A_373 = tpu.memref_squeeze %get3A_372 : memref<1x1x128xi32, #tpu.memory_space<vmem>> -> memref<128xi32, #tpu.memory_space<vmem>>
      %get3A_374 = arith.constant 96 : index
      %get3A_375 = tpu.vector_load %get3A_373[%get3A_374] {strides = array<i32>} : memref<128xi32, #tpu.memory_space<vmem>>, vector<16xi32>,
      %get3A_376 = vector.shape_cast %get3A_375 : vector<16xi32> to vector<16xi32>
      %add3A_377 = vector.broadcast %mul3A_6 : i32 to vector<16xi32>
      %add3A_378 = arith.addi %get3A_376, %add3A_377 : vector<16xi32>
      %swap3A_379 = arith.constant 1 : i32
      %swap3A_380 = arith.constant 0 : i32
      %swap3A_381 = arith.constant 0 : i32
      %swap3A_382 = tpu.memref_slice %arg5[%swap3A_379, %swap3A_380, %swap3A_381] : memref<5x1x128xi32, #tpu.memory_space<vmem>> -> memref<1x1x128xi32, #tpu.memory_space<vmem>>
      %swap3A_383 = tpu.memref_squeeze %swap3A_382 : memref<1x1x128xi32, #tpu.memory_space<vmem>> -> memref<128xi32, #tpu.memory_space<vmem>>
      %swap3A_384 = arith.constant 96 : index
      %swap3A_385 = tpu.vector_load %swap3A_383[%swap3A_384] {strides = array<i32>} : memref<128xi32, #tpu.memory_space<vmem>>, vector<16xi32>,
      %swap3A_386 = vector.shape_cast %swap3A_385 : vector<16xi32> to vector<16xi32>
      %swap3A_387 = vector.shape_cast %add3A_378 : vector<16xi32> to vector<16xi32>
      tpu.vector_store %swap3A_383[%swap3A_384], %swap3A_387 {strides = array<i32>} : memref<128xi32, #tpu.memory_space<vmem>>, vector<16xi32>,
      %get3A_388 = arith.constant 1 : i32
      %get3A_389 = arith.constant 0 : i32
      %get3A_390 = arith.constant 0 : i32
      %get3A_391 = tpu.memref_slice %arg5[%get3A_388, %get3A_389, %get3A_390] : memref<5x1x128xi32, #tpu.memory_space<vmem>> -> memref<1x1x128xi32, #tpu.memory_space<vmem>>
      %get3A_392 = tpu.memref_squeeze %get3A_391 : memref<1x1x128xi32, #tpu.memory_space<vmem>> -> memref<128xi32, #tpu.memory_space<vmem>>
      %get3A_393 = arith.constant 112 : index
      %get3A_394 = tpu.vector_load %get3A_392[%get3A_393] {strides = array<i32>} : memref<128xi32, #tpu.memory_space<vmem>>, vector<16xi32>,
      %get3A_395 = vector.shape_cast %get3A_394 : vector<16xi32> to vector<16xi32>
      %add3A_396 = vector.broadcast %mul3A_6 : i32 to vector<16xi32>
      %add3A_397 = arith.addi %get3A_395, %add3A_396 : vector<16xi32>
      %swap3A_398 = arith.constant 1 : i32
      %swap3A_399 = arith.constant 0 : i32
      %swap3A_400 = arith.constant 0 : i32
      %swap3A_401 = tpu.memref_slice %arg5[%swap3A_398, %swap3A_399, %swap3A_400] : memref<5x1x128xi32, #tpu.memory_space<vmem>> -> memref<1x1x128xi32, #tpu.memory_space<vmem>>
      %swap3A_402 = tpu.memref_squeeze %swap3A_401 : memref<1x1x128xi32, #tpu.memory_space<vmem>> -> memref<128xi32, #tpu.memory_space<vmem>>
      %swap3A_403 = arith.constant 112 : index
      %swap3A_404 = tpu.vector_load %swap3A_402[%swap3A_403] {strides = array<i32>} : memref<128xi32, #tpu.memory_space<vmem>>, vector<16xi32>,
      %swap3A_405 = vector.shape_cast %swap3A_404 : vector<16xi32> to vector<16xi32>
      %swap3A_406 = vector.shape_cast %add3A_397 : vector<16xi32> to vector<16xi32>
      tpu.vector_store %swap3A_402[%swap3A_403], %swap3A_406 {strides = array<i32>} : memref<128xi32, #tpu.memory_space<vmem>>, vector<16xi32>,
      %dma_start3A_407 = arith.constant 1 : i32
      %dma_start3A_408 = arith.constant 0 : i32
      %dma_start3A_409 = arith.constant 1 : i32
      %dma_start3A_410 = arith.constant 0 : i32
      %dma_start3A_411 = arith.constant 0 : i32
      %dma_start3A_412 = tpu.memref_slice %arg6[%dma_start3A_409, %dma_start3A_410, %dma_start3A_411] : memref<5x128x128xf32, #tpu.memory_space<vmem>> -> memref<1x128x128xf32, #tpu.memory_space<vmem>>
      %dma_start3A_413 = tpu.memref_squeeze %dma_start3A_412 : memref<1x128x128xf32, #tpu.memory_space<vmem>> -> memref<128x128xf32, #tpu.memory_space<vmem>>
      %dma_start3A_414 = arith.constant 0 : i32
      %dma_start3A_415 = tpu.memref_slice %arg5[%dma_start3A_407, %dma_start3A_408, %dma_start3A_414] : memref<5x1x128xi32, #tpu.memory_space<vmem>> -> memref<1x1x128xi32, #tpu.memory_space<vmem>>
      %dma_start3A_416 = tpu.memref_squeeze %dma_start3A_415 : memref<1x1x128xi32, #tpu.memory_space<vmem>> -> memref<128xi32, #tpu.memory_space<vmem>>
      %dma_start3A_417 = arith.constant 0 : i32
      %dma_start3A_418 = arith.constant 0 : i32
      %dma_start3A_419 = tpu.memref_slice %arg3[%dma_start3A_417, %dma_start3A_418] : memref<672x128xf32, #tpu.memory_space<hbm>> -> memref<672x128xf32, #tpu.memory_space<hbm>>
      tpu.enqueue_indirect_dma source(%dma_start3A_419 : memref<672x128xf32, #tpu.memory_space<hbm>>) target(%dma_start3A_413 : memref<128x128xf32, #tpu.memory_space<vmem>>) offsets(%dma_start3A_416 : memref<128xi32, #tpu.memory_space<vmem>>) semaphore(%arg8 : memref<!tpu.dma_semaphore, #tpu.memory_space<semaphore_mem>>)
      %ge3A_420 = arith.constant 1 : i32
      %ge3A_421 = arith.cmpi sge, %scan3A_76, %ge3A_420 : i32
      %convert_element_type3A_422 = arith.extui %ge3A_421 : i1 to i32
      %cond3A_423 = arith.constant 0 : i32
      %cond3A_424 = arith.cmpi ne, %convert_element_type3A_422, %cond3A_423 : i32
      scf.if %cond3A_424 {
        %dma_wait3A_1097 = arith.constant 2 : i32
        %dma_wait3A_1098 = arith.constant 0 : i32
        %dma_wait3A_1099 = arith.constant 0 : i32
        %dma_wait3A_1100 = tpu.memref_slice %arg6[%dma_wait3A_1097, %dma_wait3A_1098, %dma_wait3A_1099] : memref<5x128x128xf32, #tpu.memory_space<vmem>> -> memref<1x128x128xf32, #tpu.memory_space<vmem>>
        %dma_wait3A_1101 = tpu.memref_squeeze %dma_wait3A_1100 : memref<1x128x128xf32, #tpu.memory_space<vmem>> -> memref<128x128xf32, #tpu.memory_space<vmem>>
        %dma_wait3A_1102 = arith.constant 0 : i32
        %dma_wait3A_1103 = tpu.memref_slice %arg4[%mul3A_4, %dma_wait3A_1102] : memref<3276800x128xf32, #tpu.memory_space<hbm>> -> memref<128x128xf32, #tpu.memory_space<hbm>>
        %dma_wait3A_1104 = arith.constant 0 : i32
        %dma_wait3A_1105 = tpu.memref_slice %arg4[%mul3A_4, %dma_wait3A_1104] : memref<3276800x128xf32, #tpu.memory_space<hbm>> -> memref<128x128xf32, #tpu.memory_space<hbm>>
        %dma_wait3A_1106 = arith.constant 0 : i32
        %dma_wait3A_1107 = arith.constant 0 : i32
        %dma_wait3A_1108 = tpu.memref_slice %arg6[%dma_wait3A_1097, %dma_wait3A_1106, %dma_wait3A_1107] : memref<5x128x128xf32, #tpu.memory_space<vmem>> -> memref<1x128x128xf32, #tpu.memory_space<vmem>>
        %dma_wait3A_1109 = tpu.memref_squeeze %dma_wait3A_1108 : memref<1x128x128xf32, #tpu.memory_space<vmem>> -> memref<128x128xf32, #tpu.memory_space<vmem>>
        tpu.wait_dma2 semaphore(%arg14 : memref<!tpu.dma_semaphore, #tpu.memory_space<semaphore_mem>>) src(%dma_wait3A_1109 : memref<128x128xf32, #tpu.memory_space<vmem>>) dst(%dma_wait3A_1105 : memref<128x128xf32, #tpu.memory_space<hbm>>)
      } else {
      }
      %add3A_425 = arith.constant 2 : i32
      %add3A_426 = arith.addi %mul3A_78, %add3A_425 : i32
      %add3A_427 = arith.addi %mul3A_2, %add3A_426 : i32
      %run_scoped3A_428 = arith.constant 2 : i32
      "tpu.region"() ({
        %run_scoped3A_1097 = tpu.sem_alloc : memref<!tpu.dma_semaphore, #tpu.memory_space<semaphore_mem>>
        %dma_start3A_1098 = arith.constant 0 : i32
        %dma_start3A_1099 = arith.constant 0 : i32
        %dma_start3A_1100 = tpu.memref_slice %arg5[%run_scoped3A_428, %dma_start3A_1098, %dma_start3A_1099] : memref<5x1x128xi32, #tpu.memory_space<vmem>> -> memref<1x1x128xi32, #tpu.memory_space<vmem>>
        %dma_start3A_1101 = tpu.memref_squeeze %dma_start3A_1100 : memref<1x1x128xi32, #tpu.memory_space<vmem>> -> memref<1x128xi32, #tpu.memory_space<vmem>>
        %dma_start3A_1102 = arith.constant 0 : i32
        %dma_start3A_1103 = tpu.memref_slice %arg2[%add3A_427, %dma_start3A_1102] : memref<25600x128xi32, #tpu.memory_space<hbm>> -> memref<1x128xi32, #tpu.memory_space<hbm>>
        %dma_start3A_1104 = arith.constant 0 : i32
        %dma_start3A_1105 = arith.constant 0 : i32
        %dma_start3A_1106 = tpu.memref_slice %arg5[%run_scoped3A_428, %dma_start3A_1104, %dma_start3A_1105] : memref<5x1x128xi32, #tpu.memory_space<vmem>> -> memref<1x1x128xi32, #tpu.memory_space<vmem>>
        %dma_start3A_1107 = tpu.memref_squeeze %dma_start3A_1106 : memref<1x1x128xi32, #tpu.memory_space<vmem>> -> memref<1x128xi32, #tpu.memory_space<vmem>>
        %dma_start3A_1108 = arith.constant 0 : i32
        %dma_start3A_1109 = tpu.memref_slice %arg2[%add3A_427, %dma_start3A_1108] : memref<25600x128xi32, #tpu.memory_space<hbm>> -> memref<1x128xi32, #tpu.memory_space<hbm>>
        tpu.enqueue_dma source(%dma_start3A_1109 : memref<1x128xi32, #tpu.memory_space<hbm>>) target(%dma_start3A_1107 : memref<1x128xi32, #tpu.memory_space<vmem>>) target_semaphore(%run_scoped3A_1097 : memref<!tpu.dma_semaphore, #tpu.memory_space<semaphore_mem>>)
        %dma_wait3A_1110 = arith.constant 0 : i32
        %dma_wait3A_1111 = arith.constant 0 : i32
        %dma_wait3A_1112 = tpu.memref_slice %arg5[%run_scoped3A_428, %dma_wait3A_1110, %dma_wait3A_1111] : memref<5x1x128xi32, #tpu.memory_space<vmem>> -> memref<1x1x128xi32, #tpu.memory_space<vmem>>
        %dma_wait3A_1113 = tpu.memref_squeeze %dma_wait3A_1112 : memref<1x1x128xi32, #tpu.memory_space<vmem>> -> memref<1x128xi32, #tpu.memory_space<vmem>>
        %dma_wait3A_1114 = arith.constant 0 : i32
        %dma_wait3A_1115 = tpu.memref_slice %arg2[%add3A_427, %dma_wait3A_1114] : memref<25600x128xi32, #tpu.memory_space<hbm>> -> memref<1x128xi32, #tpu.memory_space<hbm>>
        %dma_wait3A_1116 = arith.constant 0 : i32
        %dma_wait3A_1117 = arith.constant 0 : i32
        %dma_wait3A_1118 = tpu.memref_slice %arg5[%run_scoped3A_428, %dma_wait3A_1116, %dma_wait3A_1117] : memref<5x1x128xi32, #tpu.memory_space<vmem>> -> memref<1x1x128xi32, #tpu.memory_space<vmem>>
        %dma_wait3A_1119 = tpu.memref_squeeze %dma_wait3A_1118 : memref<1x1x128xi32, #tpu.memory_space<vmem>> -> memref<1x128xi32, #tpu.memory_space<vmem>>
        %dma_wait3A_1120 = arith.constant 0 : i32
        %dma_wait3A_1121 = tpu.memref_slice %arg2[%add3A_427, %dma_wait3A_1120] : memref<25600x128xi32, #tpu.memory_space<hbm>> -> memref<1x128xi32, #tpu.memory_space<hbm>>
        tpu.wait_dma2 semaphore(%run_scoped3A_1097 : memref<!tpu.dma_semaphore, #tpu.memory_space<semaphore_mem>>) src(%dma_wait3A_1121 : memref<1x128xi32, #tpu.memory_space<hbm>>) dst(%dma_wait3A_1119 : memref<1x128xi32, #tpu.memory_space<vmem>>)
        tpu.yield
      }) : () -> ()
      %get3A_429 = arith.constant 2 : i32
      %get3A_430 = arith.constant 0 : i32
      %get3A_431 = arith.constant 0 : i32
      %get3A_432 = tpu.memref_slice %arg5[%get3A_429, %get3A_430, %get3A_431] : memref<5x1x128xi32, #tpu.memory_space<vmem>> -> memref<1x1x128xi32, #tpu.memory_space<vmem>>
      %get3A_433 = tpu.memref_squeeze %get3A_432 : memref<1x1x128xi32, #tpu.memory_space<vmem>> -> memref<128xi32, #tpu.memory_space<vmem>>
      %get3A_434 = arith.constant 0 : index
      %get3A_435 = tpu.vector_load %get3A_433[%get3A_434] {strides = array<i32>} : memref<128xi32, #tpu.memory_space<vmem>>, vector<16xi32>,
      %get3A_436 = vector.shape_cast %get3A_435 : vector<16xi32> to vector<16xi32>
      %add3A_437 = vector.broadcast %mul3A_6 : i32 to vector<16xi32>
      %add3A_438 = arith.addi %get3A_436, %add3A_437 : vector<16xi32>
      %swap3A_439 = arith.constant 2 : i32
      %swap3A_440 = arith.constant 0 : i32
      %swap3A_441 = arith.constant 0 : i32
      %swap3A_442 = tpu.memref_slice %arg5[%swap3A_439, %swap3A_440, %swap3A_441] : memref<5x1x128xi32, #tpu.memory_space<vmem>> -> memref<1x1x128xi32, #tpu.memory_space<vmem>>
      %swap3A_443 = tpu.memref_squeeze %swap3A_442 : memref<1x1x128xi32, #tpu.memory_space<vmem>> -> memref<128xi32, #tpu.memory_space<vmem>>
      %swap3A_444 = arith.constant 0 : index
      %swap3A_445 = tpu.vector_load %swap3A_443[%swap3A_444] {strides = array<i32>} : memref<128xi32, #tpu.memory_space<vmem>>, vector<16xi32>,
      %swap3A_446 = vector.shape_cast %swap3A_445 : vector<16xi32> to vector<16xi32>
      %swap3A_447 = vector.shape_cast %add3A_438 : vector<16xi32> to vector<16xi32>
      tpu.vector_store %swap3A_443[%swap3A_444], %swap3A_447 {strides = array<i32>} : memref<128xi32, #tpu.memory_space<vmem>>, vector<16xi32>,
      %get3A_448 = arith.constant 2 : i32
      %get3A_449 = arith.constant 0 : i32
      %get3A_450 = arith.constant 0 : i32
      %get3A_451 = tpu.memref_slice %arg5[%get3A_448, %get3A_449, %get3A_450] : memref<5x1x128xi32, #tpu.memory_space<vmem>> -> memref<1x1x128xi32, #tpu.memory_space<vmem>>
      %get3A_452 = tpu.memref_squeeze %get3A_451 : memref<1x1x128xi32, #tpu.memory_space<vmem>> -> memref<128xi32, #tpu.memory_space<vmem>>
      %get3A_453 = arith.constant 16 : index
      %get3A_454 = tpu.vector_load %get3A_452[%get3A_453] {strides = array<i32>} : memref<128xi32, #tpu.memory_space<vmem>>, vector<16xi32>,
      %get3A_455 = vector.shape_cast %get3A_454 : vector<16xi32> to vector<16xi32>
      %add3A_456 = vector.broadcast %mul3A_6 : i32 to vector<16xi32>
      %add3A_457 = arith.addi %get3A_455, %add3A_456 : vector<16xi32>
      %swap3A_458 = arith.constant 2 : i32
      %swap3A_459 = arith.constant 0 : i32
      %swap3A_460 = arith.constant 0 : i32
      %swap3A_461 = tpu.memref_slice %arg5[%swap3A_458, %swap3A_459, %swap3A_460] : memref<5x1x128xi32, #tpu.memory_space<vmem>> -> memref<1x1x128xi32, #tpu.memory_space<vmem>>
      %swap3A_462 = tpu.memref_squeeze %swap3A_461 : memref<1x1x128xi32, #tpu.memory_space<vmem>> -> memref<128xi32, #tpu.memory_space<vmem>>
      %swap3A_463 = arith.constant 16 : index
      %swap3A_464 = tpu.vector_load %swap3A_462[%swap3A_463] {strides = array<i32>} : memref<128xi32, #tpu.memory_space<vmem>>, vector<16xi32>,
      %swap3A_465 = vector.shape_cast %swap3A_464 : vector<16xi32> to vector<16xi32>
      %swap3A_466 = vector.shape_cast %add3A_457 : vector<16xi32> to vector<16xi32>
      tpu.vector_store %swap3A_462[%swap3A_463], %swap3A_466 {strides = array<i32>} : memref<128xi32, #tpu.memory_space<vmem>>, vector<16xi32>,
      %get3A_467 = arith.constant 2 : i32
      %get3A_468 = arith.constant 0 : i32
      %get3A_469 = arith.constant 0 : i32
      %get3A_470 = tpu.memref_slice %arg5[%get3A_467, %get3A_468, %get3A_469] : memref<5x1x128xi32, #tpu.memory_space<vmem>> -> memref<1x1x128xi32, #tpu.memory_space<vmem>>
      %get3A_471 = tpu.memref_squeeze %get3A_470 : memref<1x1x128xi32, #tpu.memory_space<vmem>> -> memref<128xi32, #tpu.memory_space<vmem>>
      %get3A_472 = arith.constant 32 : index
      %get3A_473 = tpu.vector_load %get3A_471[%get3A_472] {strides = array<i32>} : memref<128xi32, #tpu.memory_space<vmem>>, vector<16xi32>,
      %get3A_474 = vector.shape_cast %get3A_473 : vector<16xi32> to vector<16xi32>
      %add3A_475 = vector.broadcast %mul3A_6 : i32 to vector<16xi32>
      %add3A_476 = arith.addi %get3A_474, %add3A_475 : vector<16xi32>
      %swap3A_477 = arith.constant 2 : i32
      %swap3A_478 = arith.constant 0 : i32
      %swap3A_479 = arith.constant 0 : i32
      %swap3A_480 = tpu.memref_slice %arg5[%swap3A_477, %swap3A_478, %swap3A_479] : memref<5x1x128xi32, #tpu.memory_space<vmem>> -> memref<1x1x128xi32, #tpu.memory_space<vmem>>
      %swap3A_481 = tpu.memref_squeeze %swap3A_480 : memref<1x1x128xi32, #tpu.memory_space<vmem>> -> memref<128xi32, #tpu.memory_space<vmem>>
      %swap3A_482 = arith.constant 32 : index
      %swap3A_483 = tpu.vector_load %swap3A_481[%swap3A_482] {strides = array<i32>} : memref<128xi32, #tpu.memory_space<vmem>>, vector<16xi32>,
      %swap3A_484 = vector.shape_cast %swap3A_483 : vector<16xi32> to vector<16xi32>
      %swap3A_485 = vector.shape_cast %add3A_476 : vector<16xi32> to vector<16xi32>
      tpu.vector_store %swap3A_481[%swap3A_482], %swap3A_485 {strides = array<i32>} : memref<128xi32, #tpu.memory_space<vmem>>, vector<16xi32>,
      %get3A_486 = arith.constant 2 : i32
      %get3A_487 = arith.constant 0 : i32
      %get3A_488 = arith.constant 0 : i32
      %get3A_489 = tpu.memref_slice %arg5[%get3A_486, %get3A_487, %get3A_488] : memref<5x1x128xi32, #tpu.memory_space<vmem>> -> memref<1x1x128xi32, #tpu.memory_space<vmem>>
      %get3A_490 = tpu.memref_squeeze %get3A_489 : memref<1x1x128xi32, #tpu.memory_space<vmem>> -> memref<128xi32, #tpu.memory_space<vmem>>
      %get3A_491 = arith.constant 48 : index
      %get3A_492 = tpu.vector_load %get3A_490[%get3A_491] {strides = array<i32>} : memref<128xi32, #tpu.memory_space<vmem>>, vector<16xi32>,
      %get3A_493 = vector.shape_cast %get3A_492 : vector<16xi32> to vector<16xi32>
      %add3A_494 = vector.broadcast %mul3A_6 : i32 to vector<16xi32>
      %add3A_495 = arith.addi %get3A_493, %add3A_494 : vector<16xi32>
      %swap3A_496 = arith.constant 2 : i32
      %swap3A_497 = arith.constant 0 : i32
      %swap3A_498 = arith.constant 0 : i32
      %swap3A_499 = tpu.memref_slice %arg5[%swap3A_496, %swap3A_497, %swap3A_498] : memref<5x1x128xi32, #tpu.memory_space<vmem>> -> memref<1x1x128xi32, #tpu.memory_space<vmem>>
      %swap3A_500 = tpu.memref_squeeze %swap3A_499 : memref<1x1x128xi32, #tpu.memory_space<vmem>> -> memref<128xi32, #tpu.memory_space<vmem>>
      %swap3A_501 = arith.constant 48 : index
      %swap3A_502 = tpu.vector_load %swap3A_500[%swap3A_501] {strides = array<i32>} : memref<128xi32, #tpu.memory_space<vmem>>, vector<16xi32>,
      %swap3A_503 = vector.shape_cast %swap3A_502 : vector<16xi32> to vector<16xi32>
      %swap3A_504 = vector.shape_cast %add3A_495 : vector<16xi32> to vector<16xi32>
      tpu.vector_store %swap3A_500[%swap3A_501], %swap3A_504 {strides = array<i32>} : memref<128xi32, #tpu.memory_space<vmem>>, vector<16xi32>,
      %get3A_505 = arith.constant 2 : i32
      %get3A_506 = arith.constant 0 : i32
      %get3A_507 = arith.constant 0 : i32
      %get3A_508 = tpu.memref_slice %arg5[%get3A_505, %get3A_506, %get3A_507] : memref<5x1x128xi32, #tpu.memory_space<vmem>> -> memref<1x1x128xi32, #tpu.memory_space<vmem>>
      %get3A_509 = tpu.memref_squeeze %get3A_508 : memref<1x1x128xi32, #tpu.memory_space<vmem>> -> memref<128xi32, #tpu.memory_space<vmem>>
      %get3A_510 = arith.constant 64 : index
      %get3A_511 = tpu.vector_load %get3A_509[%get3A_510] {strides = array<i32>} : memref<128xi32, #tpu.memory_space<vmem>>, vector<16xi32>,
      %get3A_512 = vector.shape_cast %get3A_511 : vector<16xi32> to vector<16xi32>
      %add3A_513 = vector.broadcast %mul3A_6 : i32 to vector<16xi32>
      %add3A_514 = arith.addi %get3A_512, %add3A_513 : vector<16xi32>
      %swap3A_515 = arith.constant 2 : i32
      %swap3A_516 = arith.constant 0 : i32
      %swap3A_517 = arith.constant 0 : i32
      %swap3A_518 = tpu.memref_slice %arg5[%swap3A_515, %swap3A_516, %swap3A_517] : memref<5x1x128xi32, #tpu.memory_space<vmem>> -> memref<1x1x128xi32, #tpu.memory_space<vmem>>
      %swap3A_519 = tpu.memref_squeeze %swap3A_518 : memref<1x1x128xi32, #tpu.memory_space<vmem>> -> memref<128xi32, #tpu.memory_space<vmem>>
      %swap3A_520 = arith.constant 64 : index
      %swap3A_521 = tpu.vector_load %swap3A_519[%swap3A_520] {strides = array<i32>} : memref<128xi32, #tpu.memory_space<vmem>>, vector<16xi32>,
      %swap3A_522 = vector.shape_cast %swap3A_521 : vector<16xi32> to vector<16xi32>
      %swap3A_523 = vector.shape_cast %add3A_514 : vector<16xi32> to vector<16xi32>
      tpu.vector_store %swap3A_519[%swap3A_520], %swap3A_523 {strides = array<i32>} : memref<128xi32, #tpu.memory_space<vmem>>, vector<16xi32>,
      %get3A_524 = arith.constant 2 : i32
      %get3A_525 = arith.constant 0 : i32
      %get3A_526 = arith.constant 0 : i32
      %get3A_527 = tpu.memref_slice %arg5[%get3A_524, %get3A_525, %get3A_526] : memref<5x1x128xi32, #tpu.memory_space<vmem>> -> memref<1x1x128xi32, #tpu.memory_space<vmem>>
      %get3A_528 = tpu.memref_squeeze %get3A_527 : memref<1x1x128xi32, #tpu.memory_space<vmem>> -> memref<128xi32, #tpu.memory_space<vmem>>
      %get3A_529 = arith.constant 80 : index
      %get3A_530 = tpu.vector_load %get3A_528[%get3A_529] {strides = array<i32>} : memref<128xi32, #tpu.memory_space<vmem>>, vector<16xi32>,
      %get3A_531 = vector.shape_cast %get3A_530 : vector<16xi32> to vector<16xi32>
      %add3A_532 = vector.broadcast %mul3A_6 : i32 to vector<16xi32>
      %add3A_533 = arith.addi %get3A_531, %add3A_532 : vector<16xi32>
      %swap3A_534 = arith.constant 2 : i32
      %swap3A_535 = arith.constant 0 : i32
      %swap3A_536 = arith.constant 0 : i32
      %swap3A_537 = tpu.memref_slice %arg5[%swap3A_534, %swap3A_535, %swap3A_536] : memref<5x1x128xi32, #tpu.memory_space<vmem>> -> memref<1x1x128xi32, #tpu.memory_space<vmem>>
      %swap3A_538 = tpu.memref_squeeze %swap3A_537 : memref<1x1x128xi32, #tpu.memory_space<vmem>> -> memref<128xi32, #tpu.memory_space<vmem>>
      %swap3A_539 = arith.constant 80 : index
      %swap3A_540 = tpu.vector_load %swap3A_538[%swap3A_539] {strides = array<i32>} : memref<128xi32, #tpu.memory_space<vmem>>, vector<16xi32>,
      %swap3A_541 = vector.shape_cast %swap3A_540 : vector<16xi32> to vector<16xi32>
      %swap3A_542 = vector.shape_cast %add3A_533 : vector<16xi32> to vector<16xi32>
      tpu.vector_store %swap3A_538[%swap3A_539], %swap3A_542 {strides = array<i32>} : memref<128xi32, #tpu.memory_space<vmem>>, vector<16xi32>,
      %get3A_543 = arith.constant 2 : i32
      %get3A_544 = arith.constant 0 : i32
      %get3A_545 = arith.constant 0 : i32
      %get3A_546 = tpu.memref_slice %arg5[%get3A_543, %get3A_544, %get3A_545] : memref<5x1x128xi32, #tpu.memory_space<vmem>> -> memref<1x1x128xi32, #tpu.memory_space<vmem>>
      %get3A_547 = tpu.memref_squeeze %get3A_546 : memref<1x1x128xi32, #tpu.memory_space<vmem>> -> memref<128xi32, #tpu.memory_space<vmem>>
      %get3A_548 = arith.constant 96 : index
      %get3A_549 = tpu.vector_load %get3A_547[%get3A_548] {strides = array<i32>} : memref<128xi32, #tpu.memory_space<vmem>>, vector<16xi32>,
      %get3A_550 = vector.shape_cast %get3A_549 : vector<16xi32> to vector<16xi32>
      %add3A_551 = vector.broadcast %mul3A_6 : i32 to vector<16xi32>
      %add3A_552 = arith.addi %get3A_550, %add3A_551 : vector<16xi32>
      %swap3A_553 = arith.constant 2 : i32
      %swap3A_554 = arith.constant 0 : i32
      %swap3A_555 = arith.constant 0 : i32
      %swap3A_556 = tpu.memref_slice %arg5[%swap3A_553, %swap3A_554, %swap3A_555] : memref<5x1x128xi32, #tpu.memory_space<vmem>> -> memref<1x1x128xi32, #tpu.memory_space<vmem>>
      %swap3A_557 = tpu.memref_squeeze %swap3A_556 : memref<1x1x128xi32, #tpu.memory_space<vmem>> -> memref<128xi32, #tpu.memory_space<vmem>>
      %swap3A_558 = arith.constant 96 : index
      %swap3A_559 = tpu.vector_load %swap3A_557[%swap3A_558] {strides = array<i32>} : memref<128xi32, #tpu.memory_space<vmem>>, vector<16xi32>,
      %swap3A_560 = vector.shape_cast %swap3A_559 : vector<16xi32> to vector<16xi32>
      %swap3A_561 = vector.shape_cast %add3A_552 : vector<16xi32> to vector<16xi32>
      tpu.vector_store %swap3A_557[%swap3A_558], %swap3A_561 {strides = array<i32>} : memref<128xi32, #tpu.memory_space<vmem>>, vector<16xi32>,
      %get3A_562 = arith.constant 2 : i32
      %get3A_563 = arith.constant 0 : i32
      %get3A_564 = arith.constant 0 : i32
      %get3A_565 = tpu.memref_slice %arg5[%get3A_562, %get3A_563, %get3A_564] : memref<5x1x128xi32, #tpu.memory_space<vmem>> -> memref<1x1x128xi32, #tpu.memory_space<vmem>>
      %get3A_566 = tpu.memref_squeeze %get3A_565 : memref<1x1x128xi32, #tpu.memory_space<vmem>> -> memref<128xi32, #tpu.memory_space<vmem>>
      %get3A_567 = arith.constant 112 : index
      %get3A_568 = tpu.vector_load %get3A_566[%get3A_567] {strides = array<i32>} : memref<128xi32, #tpu.memory_space<vmem>>, vector<16xi32>,
      %get3A_569 = vector.shape_cast %get3A_568 : vector<16xi32> to vector<16xi32>
      %add3A_570 = vector.broadcast %mul3A_6 : i32 to vector<16xi32>
      %add3A_571 = arith.addi %get3A_569, %add3A_570 : vector<16xi32>
      %swap3A_572 = arith.constant 2 : i32
      %swap3A_573 = arith.constant 0 : i32
      %swap3A_574 = arith.constant 0 : i32
      %swap3A_575 = tpu.memref_slice %arg5[%swap3A_572, %swap3A_573, %swap3A_574] : memref<5x1x128xi32, #tpu.memory_space<vmem>> -> memref<1x1x128xi32, #tpu.memory_space<vmem>>
      %swap3A_576 = tpu.memref_squeeze %swap3A_575 : memref<1x1x128xi32, #tpu.memory_space<vmem>> -> memref<128xi32, #tpu.memory_space<vmem>>
      %swap3A_577 = arith.constant 112 : index
      %swap3A_578 = tpu.vector_load %swap3A_576[%swap3A_577] {strides = array<i32>} : memref<128xi32, #tpu.memory_space<vmem>>, vector<16xi32>,
      %swap3A_579 = vector.shape_cast %swap3A_578 : vector<16xi32> to vector<16xi32>
      %swap3A_580 = vector.shape_cast %add3A_571 : vector<16xi32> to vector<16xi32>
      tpu.vector_store %swap3A_576[%swap3A_577], %swap3A_580 {strides = array<i32>} : memref<128xi32, #tpu.memory_space<vmem>>, vector<16xi32>,
      %dma_start3A_581 = arith.constant 2 : i32
      %dma_start3A_582 = arith.constant 0 : i32
      %dma_start3A_583 = arith.constant 2 : i32
      %dma_start3A_584 = arith.constant 0 : i32
      %dma_start3A_585 = arith.constant 0 : i32
      %dma_start3A_586 = tpu.memref_slice %arg6[%dma_start3A_583, %dma_start3A_584, %dma_start3A_585] : memref<5x128x128xf32, #tpu.memory_space<vmem>> -> memref<1x128x128xf32, #tpu.memory_space<vmem>>
      %dma_start3A_587 = tpu.memref_squeeze %dma_start3A_586 : memref<1x128x128xf32, #tpu.memory_space<vmem>> -> memref<128x128xf32, #tpu.memory_space<vmem>>
      %dma_start3A_588 = arith.constant 0 : i32
      %dma_start3A_589 = tpu.memref_slice %arg5[%dma_start3A_581, %dma_start3A_582, %dma_start3A_588] : memref<5x1x128xi32, #tpu.memory_space<vmem>> -> memref<1x1x128xi32, #tpu.memory_space<vmem>>
      %dma_start3A_590 = tpu.memref_squeeze %dma_start3A_589 : memref<1x1x128xi32, #tpu.memory_space<vmem>> -> memref<128xi32, #tpu.memory_space<vmem>>
      %dma_start3A_591 = arith.constant 0 : i32
      %dma_start3A_592 = arith.constant 0 : i32
      %dma_start3A_593 = tpu.memref_slice %arg3[%dma_start3A_591, %dma_start3A_592] : memref<672x128xf32, #tpu.memory_space<hbm>> -> memref<672x128xf32, #tpu.memory_space<hbm>>
      tpu.enqueue_indirect_dma source(%dma_start3A_593 : memref<672x128xf32, #tpu.memory_space<hbm>>) target(%dma_start3A_587 : memref<128x128xf32, #tpu.memory_space<vmem>>) offsets(%dma_start3A_590 : memref<128xi32, #tpu.memory_space<vmem>>) semaphore(%arg9 : memref<!tpu.dma_semaphore, #tpu.memory_space<semaphore_mem>>)
      %ge3A_594 = arith.constant 1 : i32
      %ge3A_595 = arith.cmpi sge, %scan3A_76, %ge3A_594 : i32
      %convert_element_type3A_596 = arith.extui %ge3A_595 : i1 to i32
      %cond3A_597 = arith.constant 0 : i32
      %cond3A_598 = arith.cmpi ne, %convert_element_type3A_596, %cond3A_597 : i32
      scf.if %cond3A_598 {
        %dma_wait3A_1097 = arith.constant 3 : i32
        %dma_wait3A_1098 = arith.constant 0 : i32
        %dma_wait3A_1099 = arith.constant 0 : i32
        %dma_wait3A_1100 = tpu.memref_slice %arg6[%dma_wait3A_1097, %dma_wait3A_1098, %dma_wait3A_1099] : memref<5x128x128xf32, #tpu.memory_space<vmem>> -> memref<1x128x128xf32, #tpu.memory_space<vmem>>
        %dma_wait3A_1101 = tpu.memref_squeeze %dma_wait3A_1100 : memref<1x128x128xf32, #tpu.memory_space<vmem>> -> memref<128x128xf32, #tpu.memory_space<vmem>>
        %dma_wait3A_1102 = arith.constant 0 : i32
        %dma_wait3A_1103 = tpu.memref_slice %arg4[%mul3A_4, %dma_wait3A_1102] : memref<3276800x128xf32, #tpu.memory_space<hbm>> -> memref<128x128xf32, #tpu.memory_space<hbm>>
        %dma_wait3A_1104 = arith.constant 0 : i32
        %dma_wait3A_1105 = tpu.memref_slice %arg4[%mul3A_4, %dma_wait3A_1104] : memref<3276800x128xf32, #tpu.memory_space<hbm>> -> memref<128x128xf32, #tpu.memory_space<hbm>>
        %dma_wait3A_1106 = arith.constant 0 : i32
        %dma_wait3A_1107 = arith.constant 0 : i32
        %dma_wait3A_1108 = tpu.memref_slice %arg6[%dma_wait3A_1097, %dma_wait3A_1106, %dma_wait3A_1107] : memref<5x128x128xf32, #tpu.memory_space<vmem>> -> memref<1x128x128xf32, #tpu.memory_space<vmem>>
        %dma_wait3A_1109 = tpu.memref_squeeze %dma_wait3A_1108 : memref<1x128x128xf32, #tpu.memory_space<vmem>> -> memref<128x128xf32, #tpu.memory_space<vmem>>
        tpu.wait_dma2 semaphore(%arg15 : memref<!tpu.dma_semaphore, #tpu.memory_space<semaphore_mem>>) src(%dma_wait3A_1109 : memref<128x128xf32, #tpu.memory_space<vmem>>) dst(%dma_wait3A_1105 : memref<128x128xf32, #tpu.memory_space<hbm>>)
      } else {
      }
      %add3A_599 = arith.constant 3 : i32
      %add3A_600 = arith.addi %mul3A_78, %add3A_599 : i32
      %add3A_601 = arith.addi %mul3A_2, %add3A_600 : i32
      %run_scoped3A_602 = arith.constant 3 : i32
      "tpu.region"() ({
        %run_scoped3A_1097 = tpu.sem_alloc : memref<!tpu.dma_semaphore, #tpu.memory_space<semaphore_mem>>
        %dma_start3A_1098 = arith.constant 0 : i32
        %dma_start3A_1099 = arith.constant 0 : i32
        %dma_start3A_1100 = tpu.memref_slice %arg5[%run_scoped3A_602, %dma_start3A_1098, %dma_start3A_1099] : memref<5x1x128xi32, #tpu.memory_space<vmem>> -> memref<1x1x128xi32, #tpu.memory_space<vmem>>
        %dma_start3A_1101 = tpu.memref_squeeze %dma_start3A_1100 : memref<1x1x128xi32, #tpu.memory_space<vmem>> -> memref<1x128xi32, #tpu.memory_space<vmem>>
        %dma_start3A_1102 = arith.constant 0 : i32
        %dma_start3A_1103 = tpu.memref_slice %arg2[%add3A_601, %dma_start3A_1102] : memref<25600x128xi32, #tpu.memory_space<hbm>> -> memref<1x128xi32, #tpu.memory_space<hbm>>
        %dma_start3A_1104 = arith.constant 0 : i32
        %dma_start3A_1105 = arith.constant 0 : i32
        %dma_start3A_1106 = tpu.memref_slice %arg5[%run_scoped3A_602, %dma_start3A_1104, %dma_start3A_1105] : memref<5x1x128xi32, #tpu.memory_space<vmem>> -> memref<1x1x128xi32, #tpu.memory_space<vmem>>
        %dma_start3A_1107 = tpu.memref_squeeze %dma_start3A_1106 : memref<1x1x128xi32, #tpu.memory_space<vmem>> -> memref<1x128xi32, #tpu.memory_space<vmem>>
        %dma_start3A_1108 = arith.constant 0 : i32
        %dma_start3A_1109 = tpu.memref_slice %arg2[%add3A_601, %dma_start3A_1108] : memref<25600x128xi32, #tpu.memory_space<hbm>> -> memref<1x128xi32, #tpu.memory_space<hbm>>
        tpu.enqueue_dma source(%dma_start3A_1109 : memref<1x128xi32, #tpu.memory_space<hbm>>) target(%dma_start3A_1107 : memref<1x128xi32, #tpu.memory_space<vmem>>) target_semaphore(%run_scoped3A_1097 : memref<!tpu.dma_semaphore, #tpu.memory_space<semaphore_mem>>)
        %dma_wait3A_1110 = arith.constant 0 : i32
        %dma_wait3A_1111 = arith.constant 0 : i32
        %dma_wait3A_1112 = tpu.memref_slice %arg5[%run_scoped3A_602, %dma_wait3A_1110, %dma_wait3A_1111] : memref<5x1x128xi32, #tpu.memory_space<vmem>> -> memref<1x1x128xi32, #tpu.memory_space<vmem>>
        %dma_wait3A_1113 = tpu.memref_squeeze %dma_wait3A_1112 : memref<1x1x128xi32, #tpu.memory_space<vmem>> -> memref<1x128xi32, #tpu.memory_space<vmem>>
        %dma_wait3A_1114 = arith.constant 0 : i32
        %dma_wait3A_1115 = tpu.memref_slice %arg2[%add3A_601, %dma_wait3A_1114] : memref<25600x128xi32, #tpu.memory_space<hbm>> -> memref<1x128xi32, #tpu.memory_space<hbm>>
        %dma_wait3A_1116 = arith.constant 0 : i32
        %dma_wait3A_1117 = arith.constant 0 : i32
        %dma_wait3A_1118 = tpu.memref_slice %arg5[%run_scoped3A_602, %dma_wait3A_1116, %dma_wait3A_1117] : memref<5x1x128xi32, #tpu.memory_space<vmem>> -> memref<1x1x128xi32, #tpu.memory_space<vmem>>
        %dma_wait3A_1119 = tpu.memref_squeeze %dma_wait3A_1118 : memref<1x1x128xi32, #tpu.memory_space<vmem>> -> memref<1x128xi32, #tpu.memory_space<vmem>>
        %dma_wait3A_1120 = arith.constant 0 : i32
        %dma_wait3A_1121 = tpu.memref_slice %arg2[%add3A_601, %dma_wait3A_1120] : memref<25600x128xi32, #tpu.memory_space<hbm>> -> memref<1x128xi32, #tpu.memory_space<hbm>>
        tpu.wait_dma2 semaphore(%run_scoped3A_1097 : memref<!tpu.dma_semaphore, #tpu.memory_space<semaphore_mem>>) src(%dma_wait3A_1121 : memref<1x128xi32, #tpu.memory_space<hbm>>) dst(%dma_wait3A_1119 : memref<1x128xi32, #tpu.memory_space<vmem>>)
        tpu.yield
      }) : () -> ()
      %get3A_603 = arith.constant 3 : i32
      %get3A_604 = arith.constant 0 : i32
      %get3A_605 = arith.constant 0 : i32
      %get3A_606 = tpu.memref_slice %arg5[%get3A_603, %get3A_604, %get3A_605] : memref<5x1x128xi32, #tpu.memory_space<vmem>> -> memref<1x1x128xi32, #tpu.memory_space<vmem>>
      %get3A_607 = tpu.memref_squeeze %get3A_606 : memref<1x1x128xi32, #tpu.memory_space<vmem>> -> memref<128xi32, #tpu.memory_space<vmem>>
      %get3A_608 = arith.constant 0 : index
      %get3A_609 = tpu.vector_load %get3A_607[%get3A_608] {strides = array<i32>} : memref<128xi32, #tpu.memory_space<vmem>>, vector<16xi32>,
      %get3A_610 = vector.shape_cast %get3A_609 : vector<16xi32> to vector<16xi32>
      %add3A_611 = vector.broadcast %mul3A_6 : i32 to vector<16xi32>
      %add3A_612 = arith.addi %get3A_610, %add3A_611 : vector<16xi32>
      %swap3A_613 = arith.constant 3 : i32
      %swap3A_614 = arith.constant 0 : i32
      %swap3A_615 = arith.constant 0 : i32
      %swap3A_616 = tpu.memref_slice %arg5[%swap3A_613, %swap3A_614, %swap3A_615] : memref<5x1x128xi32, #tpu.memory_space<vmem>> -> memref<1x1x128xi32, #tpu.memory_space<vmem>>
      %swap3A_617 = tpu.memref_squeeze %swap3A_616 : memref<1x1x128xi32, #tpu.memory_space<vmem>> -> memref<128xi32, #tpu.memory_space<vmem>>
      %swap3A_618 = arith.constant 0 : index
      %swap3A_619 = tpu.vector_load %swap3A_617[%swap3A_618] {strides = array<i32>} : memref<128xi32, #tpu.memory_space<vmem>>, vector<16xi32>,
      %swap3A_620 = vector.shape_cast %swap3A_619 : vector<16xi32> to vector<16xi32>
      %swap3A_621 = vector.shape_cast %add3A_612 : vector<16xi32> to vector<16xi32>
      tpu.vector_store %swap3A_617[%swap3A_618], %swap3A_621 {strides = array<i32>} : memref<128xi32, #tpu.memory_space<vmem>>, vector<16xi32>,
      %get3A_622 = arith.constant 3 : i32
      %get3A_623 = arith.constant 0 : i32
      %get3A_624 = arith.constant 0 : i32
      %get3A_625 = tpu.memref_slice %arg5[%get3A_622, %get3A_623, %get3A_624] : memref<5x1x128xi32, #tpu.memory_space<vmem>> -> memref<1x1x128xi32, #tpu.memory_space<vmem>>
      %get3A_626 = tpu.memref_squeeze %get3A_625 : memref<1x1x128xi32, #tpu.memory_space<vmem>> -> memref<128xi32, #tpu.memory_space<vmem>>
      %get3A_627 = arith.constant 16 : index
      %get3A_628 = tpu.vector_load %get3A_626[%get3A_627] {strides = array<i32>} : memref<128xi32, #tpu.memory_space<vmem>>, vector<16xi32>,
      %get3A_629 = vector.shape_cast %get3A_628 : vector<16xi32> to vector<16xi32>
      %add3A_630 = vector.broadcast %mul3A_6 : i32 to vector<16xi32>
      %add3A_631 = arith.addi %get3A_629, %add3A_630 : vector<16xi32>
      %swap3A_632 = arith.constant 3 : i32
      %swap3A_633 = arith.constant 0 : i32
      %swap3A_634 = arith.constant 0 : i32
      %swap3A_635 = tpu.memref_slice %arg5[%swap3A_632, %swap3A_633, %swap3A_634] : memref<5x1x128xi32, #tpu.memory_space<vmem>> -> memref<1x1x128xi32, #tpu.memory_space<vmem>>
      %swap3A_636 = tpu.memref_squeeze %swap3A_635 : memref<1x1x128xi32, #tpu.memory_space<vmem>> -> memref<128xi32, #tpu.memory_space<vmem>>
      %swap3A_637 = arith.constant 16 : index
      %swap3A_638 = tpu.vector_load %swap3A_636[%swap3A_637] {strides = array<i32>} : memref<128xi32, #tpu.memory_space<vmem>>, vector<16xi32>,
      %swap3A_639 = vector.shape_cast %swap3A_638 : vector<16xi32> to vector<16xi32>
      %swap3A_640 = vector.shape_cast %add3A_631 : vector<16xi32> to vector<16xi32>
      tpu.vector_store %swap3A_636[%swap3A_637], %swap3A_640 {strides = array<i32>} : memref<128xi32, #tpu.memory_space<vmem>>, vector<16xi32>,
      %get3A_641 = arith.constant 3 : i32
      %get3A_642 = arith.constant 0 : i32
      %get3A_643 = arith.constant 0 : i32
      %get3A_644 = tpu.memref_slice %arg5[%get3A_641, %get3A_642, %get3A_643] : memref<5x1x128xi32, #tpu.memory_space<vmem>> -> memref<1x1x128xi32, #tpu.memory_space<vmem>>
      %get3A_645 = tpu.memref_squeeze %get3A_644 : memref<1x1x128xi32, #tpu.memory_space<vmem>> -> memref<128xi32, #tpu.memory_space<vmem>>
      %get3A_646 = arith.constant 32 : index
      %get3A_647 = tpu.vector_load %get3A_645[%get3A_646] {strides = array<i32>} : memref<128xi32, #tpu.memory_space<vmem>>, vector<16xi32>,
      %get3A_648 = vector.shape_cast %get3A_647 : vector<16xi32> to vector<16xi32>
      %add3A_649 = vector.broadcast %mul3A_6 : i32 to vector<16xi32>
      %add3A_650 = arith.addi %get3A_648, %add3A_649 : vector<16xi32>
      %swap3A_651 = arith.constant 3 : i32
      %swap3A_652 = arith.constant 0 : i32
      %swap3A_653 = arith.constant 0 : i32
      %swap3A_654 = tpu.memref_slice %arg5[%swap3A_651, %swap3A_652, %swap3A_653] : memref<5x1x128xi32, #tpu.memory_space<vmem>> -> memref<1x1x128xi32, #tpu.memory_space<vmem>>
      %swap3A_655 = tpu.memref_squeeze %swap3A_654 : memref<1x1x128xi32, #tpu.memory_space<vmem>> -> memref<128xi32, #tpu.memory_space<vmem>>
      %swap3A_656 = arith.constant 32 : index
      %swap3A_657 = tpu.vector_load %swap3A_655[%swap3A_656] {strides = array<i32>} : memref<128xi32, #tpu.memory_space<vmem>>, vector<16xi32>,
      %swap3A_658 = vector.shape_cast %swap3A_657 : vector<16xi32> to vector<16xi32>
      %swap3A_659 = vector.shape_cast %add3A_650 : vector<16xi32> to vector<16xi32>
      tpu.vector_store %swap3A_655[%swap3A_656], %swap3A_659 {strides = array<i32>} : memref<128xi32, #tpu.memory_space<vmem>>, vector<16xi32>,
      %get3A_660 = arith.constant 3 : i32
      %get3A_661 = arith.constant 0 : i32
      %get3A_662 = arith.constant 0 : i32
      %get3A_663 = tpu.memref_slice %arg5[%get3A_660, %get3A_661, %get3A_662] : memref<5x1x128xi32, #tpu.memory_space<vmem>> -> memref<1x1x128xi32, #tpu.memory_space<vmem>>
      %get3A_664 = tpu.memref_squeeze %get3A_663 : memref<1x1x128xi32, #tpu.memory_space<vmem>> -> memref<128xi32, #tpu.memory_space<vmem>>
      %get3A_665 = arith.constant 48 : index
      %get3A_666 = tpu.vector_load %get3A_664[%get3A_665] {strides = array<i32>} : memref<128xi32, #tpu.memory_space<vmem>>, vector<16xi32>,
      %get3A_667 = vector.shape_cast %get3A_666 : vector<16xi32> to vector<16xi32>
      %add3A_668 = vector.broadcast %mul3A_6 : i32 to vector<16xi32>
      %add3A_669 = arith.addi %get3A_667, %add3A_668 : vector<16xi32>
      %swap3A_670 = arith.constant 3 : i32
      %swap3A_671 = arith.constant 0 : i32
      %swap3A_672 = arith.constant 0 : i32
      %swap3A_673 = tpu.memref_slice %arg5[%swap3A_670, %swap3A_671, %swap3A_672] : memref<5x1x128xi32, #tpu.memory_space<vmem>> -> memref<1x1x128xi32, #tpu.memory_space<vmem>>
      %swap3A_674 = tpu.memref_squeeze %swap3A_673 : memref<1x1x128xi32, #tpu.memory_space<vmem>> -> memref<128xi32, #tpu.memory_space<vmem>>
      %swap3A_675 = arith.constant 48 : index
      %swap3A_676 = tpu.vector_load %swap3A_674[%swap3A_675] {strides = array<i32>} : memref<128xi32, #tpu.memory_space<vmem>>, vector<16xi32>,
      %swap3A_677 = vector.shape_cast %swap3A_676 : vector<16xi32> to vector<16xi32>
      %swap3A_678 = vector.shape_cast %add3A_669 : vector<16xi32> to vector<16xi32>
      tpu.vector_store %swap3A_674[%swap3A_675], %swap3A_678 {strides = array<i32>} : memref<128xi32, #tpu.memory_space<vmem>>, vector<16xi32>,
      %get3A_679 = arith.constant 3 : i32
      %get3A_680 = arith.constant 0 : i32
      %get3A_681 = arith.constant 0 : i32
      %get3A_682 = tpu.memref_slice %arg5[%get3A_679, %get3A_680, %get3A_681] : memref<5x1x128xi32, #tpu.memory_space<vmem>> -> memref<1x1x128xi32, #tpu.memory_space<vmem>>
      %get3A_683 = tpu.memref_squeeze %get3A_682 : memref<1x1x128xi32, #tpu.memory_space<vmem>> -> memref<128xi32, #tpu.memory_space<vmem>>
      %get3A_684 = arith.constant 64 : index
      %get3A_685 = tpu.vector_load %get3A_683[%get3A_684] {strides = array<i32>} : memref<128xi32, #tpu.memory_space<vmem>>, vector<16xi32>,
      %get3A_686 = vector.shape_cast %get3A_685 : vector<16xi32> to vector<16xi32>
      %add3A_687 = vector.broadcast %mul3A_6 : i32 to vector<16xi32>
      %add3A_688 = arith.addi %get3A_686, %add3A_687 : vector<16xi32>
      %swap3A_689 = arith.constant 3 : i32
      %swap3A_690 = arith.constant 0 : i32
      %swap3A_691 = arith.constant 0 : i32
      %swap3A_692 = tpu.memref_slice %arg5[%swap3A_689, %swap3A_690, %swap3A_691] : memref<5x1x128xi32, #tpu.memory_space<vmem>> -> memref<1x1x128xi32, #tpu.memory_space<vmem>>
      %swap3A_693 = tpu.memref_squeeze %swap3A_692 : memref<1x1x128xi32, #tpu.memory_space<vmem>> -> memref<128xi32, #tpu.memory_space<vmem>>
      %swap3A_694 = arith.constant 64 : index
      %swap3A_695 = tpu.vector_load %swap3A_693[%swap3A_694] {strides = array<i32>} : memref<128xi32, #tpu.memory_space<vmem>>, vector<16xi32>,
      %swap3A_696 = vector.shape_cast %swap3A_695 : vector<16xi32> to vector<16xi32>
      %swap3A_697 = vector.shape_cast %add3A_688 : vector<16xi32> to vector<16xi32>
      tpu.vector_store %swap3A_693[%swap3A_694], %swap3A_697 {strides = array<i32>} : memref<128xi32, #tpu.memory_space<vmem>>, vector<16xi32>,
      %get3A_698 = arith.constant 3 : i32
      %get3A_699 = arith.constant 0 : i32
      %get3A_700 = arith.constant 0 : i32
      %get3A_701 = tpu.memref_slice %arg5[%get3A_698, %get3A_699, %get3A_700] : memref<5x1x128xi32, #tpu.memory_space<vmem>> -> memref<1x1x128xi32, #tpu.memory_space<vmem>>
      %get3A_702 = tpu.memref_squeeze %get3A_701 : memref<1x1x128xi32, #tpu.memory_space<vmem>> -> memref<128xi32, #tpu.memory_space<vmem>>
      %get3A_703 = arith.constant 80 : index
      %get3A_704 = tpu.vector_load %get3A_702[%get3A_703] {strides = array<i32>} : memref<128xi32, #tpu.memory_space<vmem>>, vector<16xi32>,
      %get3A_705 = vector.shape_cast %get3A_704 : vector<16xi32> to vector<16xi32>
      %add3A_706 = vector.broadcast %mul3A_6 : i32 to vector<16xi32>
      %add3A_707 = arith.addi %get3A_705, %add3A_706 : vector<16xi32>
      %swap3A_708 = arith.constant 3 : i32
      %swap3A_709 = arith.constant 0 : i32
      %swap3A_710 = arith.constant 0 : i32
      %swap3A_711 = tpu.memref_slice %arg5[%swap3A_708, %swap3A_709, %swap3A_710] : memref<5x1x128xi32, #tpu.memory_space<vmem>> -> memref<1x1x128xi32, #tpu.memory_space<vmem>>
      %swap3A_712 = tpu.memref_squeeze %swap3A_711 : memref<1x1x128xi32, #tpu.memory_space<vmem>> -> memref<128xi32, #tpu.memory_space<vmem>>
      %swap3A_713 = arith.constant 80 : index
      %swap3A_714 = tpu.vector_load %swap3A_712[%swap3A_713] {strides = array<i32>} : memref<128xi32, #tpu.memory_space<vmem>>, vector<16xi32>,
      %swap3A_715 = vector.shape_cast %swap3A_714 : vector<16xi32> to vector<16xi32>
      %swap3A_716 = vector.shape_cast %add3A_707 : vector<16xi32> to vector<16xi32>
      tpu.vector_store %swap3A_712[%swap3A_713], %swap3A_716 {strides = array<i32>} : memref<128xi32, #tpu.memory_space<vmem>>, vector<16xi32>,
      %get3A_717 = arith.constant 3 : i32
      %get3A_718 = arith.constant 0 : i32
      %get3A_719 = arith.constant 0 : i32
      %get3A_720 = tpu.memref_slice %arg5[%get3A_717, %get3A_718, %get3A_719] : memref<5x1x128xi32, #tpu.memory_space<vmem>> -> memref<1x1x128xi32, #tpu.memory_space<vmem>>
      %get3A_721 = tpu.memref_squeeze %get3A_720 : memref<1x1x128xi32, #tpu.memory_space<vmem>> -> memref<128xi32, #tpu.memory_space<vmem>>
      %get3A_722 = arith.constant 96 : index
      %get3A_723 = tpu.vector_load %get3A_721[%get3A_722] {strides = array<i32>} : memref<128xi32, #tpu.memory_space<vmem>>, vector<16xi32>,
      %get3A_724 = vector.shape_cast %get3A_723 : vector<16xi32> to vector<16xi32>
      %add3A_725 = vector.broadcast %mul3A_6 : i32 to vector<16xi32>
      %add3A_726 = arith.addi %get3A_724, %add3A_725 : vector<16xi32>
      %swap3A_727 = arith.constant 3 : i32
      %swap3A_728 = arith.constant 0 : i32
      %swap3A_729 = arith.constant 0 : i32
      %swap3A_730 = tpu.memref_slice %arg5[%swap3A_727, %swap3A_728, %swap3A_729] : memref<5x1x128xi32, #tpu.memory_space<vmem>> -> memref<1x1x128xi32, #tpu.memory_space<vmem>>
      %swap3A_731 = tpu.memref_squeeze %swap3A_730 : memref<1x1x128xi32, #tpu.memory_space<vmem>> -> memref<128xi32, #tpu.memory_space<vmem>>
      %swap3A_732 = arith.constant 96 : index
      %swap3A_733 = tpu.vector_load %swap3A_731[%swap3A_732] {strides = array<i32>} : memref<128xi32, #tpu.memory_space<vmem>>, vector<16xi32>,
      %swap3A_734 = vector.shape_cast %swap3A_733 : vector<16xi32> to vector<16xi32>
      %swap3A_735 = vector.shape_cast %add3A_726 : vector<16xi32> to vector<16xi32>
      tpu.vector_store %swap3A_731[%swap3A_732], %swap3A_735 {strides = array<i32>} : memref<128xi32, #tpu.memory_space<vmem>>, vector<16xi32>,
      %get3A_736 = arith.constant 3 : i32
      %get3A_737 = arith.constant 0 : i32
      %get3A_738 = arith.constant 0 : i32
      %get3A_739 = tpu.memref_slice %arg5[%get3A_736, %get3A_737, %get3A_738] : memref<5x1x128xi32, #tpu.memory_space<vmem>> -> memref<1x1x128xi32, #tpu.memory_space<vmem>>
      %get3A_740 = tpu.memref_squeeze %get3A_739 : memref<1x1x128xi32, #tpu.memory_space<vmem>> -> memref<128xi32, #tpu.memory_space<vmem>>
      %get3A_741 = arith.constant 112 : index
      %get3A_742 = tpu.vector_load %get3A_740[%get3A_741] {strides = array<i32>} : memref<128xi32, #tpu.memory_space<vmem>>, vector<16xi32>,
      %get3A_743 = vector.shape_cast %get3A_742 : vector<16xi32> to vector<16xi32>
      %add3A_744 = vector.broadcast %mul3A_6 : i32 to vector<16xi32>
      %add3A_745 = arith.addi %get3A_743, %add3A_744 : vector<16xi32>
      %swap3A_746 = arith.constant 3 : i32
      %swap3A_747 = arith.constant 0 : i32
      %swap3A_748 = arith.constant 0 : i32
      %swap3A_749 = tpu.memref_slice %arg5[%swap3A_746, %swap3A_747, %swap3A_748] : memref<5x1x128xi32, #tpu.memory_space<vmem>> -> memref<1x1x128xi32, #tpu.memory_space<vmem>>
      %swap3A_750 = tpu.memref_squeeze %swap3A_749 : memref<1x1x128xi32, #tpu.memory_space<vmem>> -> memref<128xi32, #tpu.memory_space<vmem>>
      %swap3A_751 = arith.constant 112 : index
      %swap3A_752 = tpu.vector_load %swap3A_750[%swap3A_751] {strides = array<i32>} : memref<128xi32, #tpu.memory_space<vmem>>, vector<16xi32>,
      %swap3A_753 = vector.shape_cast %swap3A_752 : vector<16xi32> to vector<16xi32>
      %swap3A_754 = vector.shape_cast %add3A_745 : vector<16xi32> to vector<16xi32>
      tpu.vector_store %swap3A_750[%swap3A_751], %swap3A_754 {strides = array<i32>} : memref<128xi32, #tpu.memory_space<vmem>>, vector<16xi32>,
      %dma_start3A_755 = arith.constant 3 : i32
      %dma_start3A_756 = arith.constant 0 : i32
      %dma_start3A_757 = arith.constant 3 : i32
      %dma_start3A_758 = arith.constant 0 : i32
      %dma_start3A_759 = arith.constant 0 : i32
      %dma_start3A_760 = tpu.memref_slice %arg6[%dma_start3A_757, %dma_start3A_758, %dma_start3A_759] : memref<5x128x128xf32, #tpu.memory_space<vmem>> -> memref<1x128x128xf32, #tpu.memory_space<vmem>>
      %dma_start3A_761 = tpu.memref_squeeze %dma_start3A_760 : memref<1x128x128xf32, #tpu.memory_space<vmem>> -> memref<128x128xf32, #tpu.memory_space<vmem>>
      %dma_start3A_762 = arith.constant 0 : i32
      %dma_start3A_763 = tpu.memref_slice %arg5[%dma_start3A_755, %dma_start3A_756, %dma_start3A_762] : memref<5x1x128xi32, #tpu.memory_space<vmem>> -> memref<1x1x128xi32, #tpu.memory_space<vmem>>
      %dma_start3A_764 = tpu.memref_squeeze %dma_start3A_763 : memref<1x1x128xi32, #tpu.memory_space<vmem>> -> memref<128xi32, #tpu.memory_space<vmem>>
      %dma_start3A_765 = arith.constant 0 : i32
      %dma_start3A_766 = arith.constant 0 : i32
      %dma_start3A_767 = tpu.memref_slice %arg3[%dma_start3A_765, %dma_start3A_766] : memref<672x128xf32, #tpu.memory_space<hbm>> -> memref<672x128xf32, #tpu.memory_space<hbm>>
      tpu.enqueue_indirect_dma source(%dma_start3A_767 : memref<672x128xf32, #tpu.memory_space<hbm>>) target(%dma_start3A_761 : memref<128x128xf32, #tpu.memory_space<vmem>>) offsets(%dma_start3A_764 : memref<128xi32, #tpu.memory_space<vmem>>) semaphore(%arg10 : memref<!tpu.dma_semaphore, #tpu.memory_space<semaphore_mem>>)
      %ge3A_768 = arith.constant 1 : i32
      %ge3A_769 = arith.cmpi sge, %scan3A_76, %ge3A_768 : i32
      %convert_element_type3A_770 = arith.extui %ge3A_769 : i1 to i32
      %cond3A_771 = arith.constant 0 : i32
      %cond3A_772 = arith.cmpi ne, %convert_element_type3A_770, %cond3A_771 : i32
      scf.if %cond3A_772 {
        %dma_wait3A_1097 = arith.constant 4 : i32
        %dma_wait3A_1098 = arith.constant 0 : i32
        %dma_wait3A_1099 = arith.constant 0 : i32
        %dma_wait3A_1100 = tpu.memref_slice %arg6[%dma_wait3A_1097, %dma_wait3A_1098, %dma_wait3A_1099] : memref<5x128x128xf32, #tpu.memory_space<vmem>> -> memref<1x128x128xf32, #tpu.memory_space<vmem>>
        %dma_wait3A_1101 = tpu.memref_squeeze %dma_wait3A_1100 : memref<1x128x128xf32, #tpu.memory_space<vmem>> -> memref<128x128xf32, #tpu.memory_space<vmem>>
        %dma_wait3A_1102 = arith.constant 0 : i32
        %dma_wait3A_1103 = tpu.memref_slice %arg4[%mul3A_4, %dma_wait3A_1102] : memref<3276800x128xf32, #tpu.memory_space<hbm>> -> memref<128x128xf32, #tpu.memory_space<hbm>>
        %dma_wait3A_1104 = arith.constant 0 : i32
        %dma_wait3A_1105 = tpu.memref_slice %arg4[%mul3A_4, %dma_wait3A_1104] : memref<3276800x128xf32, #tpu.memory_space<hbm>> -> memref<128x128xf32, #tpu.memory_space<hbm>>
        %dma_wait3A_1106 = arith.constant 0 : i32
        %dma_wait3A_1107 = arith.constant 0 : i32
        %dma_wait3A_1108 = tpu.memref_slice %arg6[%dma_wait3A_1097, %dma_wait3A_1106, %dma_wait3A_1107] : memref<5x128x128xf32, #tpu.memory_space<vmem>> -> memref<1x128x128xf32, #tpu.memory_space<vmem>>
        %dma_wait3A_1109 = tpu.memref_squeeze %dma_wait3A_1108 : memref<1x128x128xf32, #tpu.memory_space<vmem>> -> memref<128x128xf32, #tpu.memory_space<vmem>>
        tpu.wait_dma2 semaphore(%arg16 : memref<!tpu.dma_semaphore, #tpu.memory_space<semaphore_mem>>) src(%dma_wait3A_1109 : memref<128x128xf32, #tpu.memory_space<vmem>>) dst(%dma_wait3A_1105 : memref<128x128xf32, #tpu.memory_space<hbm>>)
      } else {
      }
      %add3A_773 = arith.constant 4 : i32
      %add3A_774 = arith.addi %mul3A_78, %add3A_773 : i32
      %add3A_775 = arith.addi %mul3A_2, %add3A_774 : i32
      %run_scoped3A_776 = arith.constant 4 : i32
      "tpu.region"() ({
        %run_scoped3A_1097 = tpu.sem_alloc : memref<!tpu.dma_semaphore, #tpu.memory_space<semaphore_mem>>
        %dma_start3A_1098 = arith.constant 0 : i32
        %dma_start3A_1099 = arith.constant 0 : i32
        %dma_start3A_1100 = tpu.memref_slice %arg5[%run_scoped3A_776, %dma_start3A_1098, %dma_start3A_1099] : memref<5x1x128xi32, #tpu.memory_space<vmem>> -> memref<1x1x128xi32, #tpu.memory_space<vmem>>
        %dma_start3A_1101 = tpu.memref_squeeze %dma_start3A_1100 : memref<1x1x128xi32, #tpu.memory_space<vmem>> -> memref<1x128xi32, #tpu.memory_space<vmem>>
        %dma_start3A_1102 = arith.constant 0 : i32
        %dma_start3A_1103 = tpu.memref_slice %arg2[%add3A_775, %dma_start3A_1102] : memref<25600x128xi32, #tpu.memory_space<hbm>> -> memref<1x128xi32, #tpu.memory_space<hbm>>
        %dma_start3A_1104 = arith.constant 0 : i32
        %dma_start3A_1105 = arith.constant 0 : i32
        %dma_start3A_1106 = tpu.memref_slice %arg5[%run_scoped3A_776, %dma_start3A_1104, %dma_start3A_1105] : memref<5x1x128xi32, #tpu.memory_space<vmem>> -> memref<1x1x128xi32, #tpu.memory_space<vmem>>
        %dma_start3A_1107 = tpu.memref_squeeze %dma_start3A_1106 : memref<1x1x128xi32, #tpu.memory_space<vmem>> -> memref<1x128xi32, #tpu.memory_space<vmem>>
        %dma_start3A_1108 = arith.constant 0 : i32
        %dma_start3A_1109 = tpu.memref_slice %arg2[%add3A_775, %dma_start3A_1108] : memref<25600x128xi32, #tpu.memory_space<hbm>> -> memref<1x128xi32, #tpu.memory_space<hbm>>
        tpu.enqueue_dma source(%dma_start3A_1109 : memref<1x128xi32, #tpu.memory_space<hbm>>) target(%dma_start3A_1107 : memref<1x128xi32, #tpu.memory_space<vmem>>) target_semaphore(%run_scoped3A_1097 : memref<!tpu.dma_semaphore, #tpu.memory_space<semaphore_mem>>)
        %dma_wait3A_1110 = arith.constant 0 : i32
        %dma_wait3A_1111 = arith.constant 0 : i32
        %dma_wait3A_1112 = tpu.memref_slice %arg5[%run_scoped3A_776, %dma_wait3A_1110, %dma_wait3A_1111] : memref<5x1x128xi32, #tpu.memory_space<vmem>> -> memref<1x1x128xi32, #tpu.memory_space<vmem>>
        %dma_wait3A_1113 = tpu.memref_squeeze %dma_wait3A_1112 : memref<1x1x128xi32, #tpu.memory_space<vmem>> -> memref<1x128xi32, #tpu.memory_space<vmem>>
        %dma_wait3A_1114 = arith.constant 0 : i32
        %dma_wait3A_1115 = tpu.memref_slice %arg2[%add3A_775, %dma_wait3A_1114] : memref<25600x128xi32, #tpu.memory_space<hbm>> -> memref<1x128xi32, #tpu.memory_space<hbm>>
        %dma_wait3A_1116 = arith.constant 0 : i32
        %dma_wait3A_1117 = arith.constant 0 : i32
        %dma_wait3A_1118 = tpu.memref_slice %arg5[%run_scoped3A_776, %dma_wait3A_1116, %dma_wait3A_1117] : memref<5x1x128xi32, #tpu.memory_space<vmem>> -> memref<1x1x128xi32, #tpu.memory_space<vmem>>
        %dma_wait3A_1119 = tpu.memref_squeeze %dma_wait3A_1118 : memref<1x1x128xi32, #tpu.memory_space<vmem>> -> memref<1x128xi32, #tpu.memory_space<vmem>>
        %dma_wait3A_1120 = arith.constant 0 : i32
        %dma_wait3A_1121 = tpu.memref_slice %arg2[%add3A_775, %dma_wait3A_1120] : memref<25600x128xi32, #tpu.memory_space<hbm>> -> memref<1x128xi32, #tpu.memory_space<hbm>>
        tpu.wait_dma2 semaphore(%run_scoped3A_1097 : memref<!tpu.dma_semaphore, #tpu.memory_space<semaphore_mem>>) src(%dma_wait3A_1121 : memref<1x128xi32, #tpu.memory_space<hbm>>) dst(%dma_wait3A_1119 : memref<1x128xi32, #tpu.memory_space<vmem>>)
        tpu.yield
      }) : () -> ()
      %get3A_777 = arith.constant 4 : i32
      %get3A_778 = arith.constant 0 : i32
      %get3A_779 = arith.constant 0 : i32
      %get3A_780 = tpu.memref_slice %arg5[%get3A_777, %get3A_778, %get3A_779] : memref<5x1x128xi32, #tpu.memory_space<vmem>> -> memref<1x1x128xi32, #tpu.memory_space<vmem>>
      %get3A_781 = tpu.memref_squeeze %get3A_780 : memref<1x1x128xi32, #tpu.memory_space<vmem>> -> memref<128xi32, #tpu.memory_space<vmem>>
      %get3A_782 = arith.constant 0 : index
      %get3A_783 = tpu.vector_load %get3A_781[%get3A_782] {strides = array<i32>} : memref<128xi32, #tpu.memory_space<vmem>>, vector<16xi32>,
      %get3A_784 = vector.shape_cast %get3A_783 : vector<16xi32> to vector<16xi32>
      %add3A_785 = vector.broadcast %mul3A_6 : i32 to vector<16xi32>
      %add3A_786 = arith.addi %get3A_784, %add3A_785 : vector<16xi32>
      %swap3A_787 = arith.constant 4 : i32
      %swap3A_788 = arith.constant 0 : i32
      %swap3A_789 = arith.constant 0 : i32
      %swap3A_790 = tpu.memref_slice %arg5[%swap3A_787, %swap3A_788, %swap3A_789] : memref<5x1x128xi32, #tpu.memory_space<vmem>> -> memref<1x1x128xi32, #tpu.memory_space<vmem>>
      %swap3A_791 = tpu.memref_squeeze %swap3A_790 : memref<1x1x128xi32, #tpu.memory_space<vmem>> -> memref<128xi32, #tpu.memory_space<vmem>>
      %swap3A_792 = arith.constant 0 : index
      %swap3A_793 = tpu.vector_load %swap3A_791[%swap3A_792] {strides = array<i32>} : memref<128xi32, #tpu.memory_space<vmem>>, vector<16xi32>,
      %swap3A_794 = vector.shape_cast %swap3A_793 : vector<16xi32> to vector<16xi32>
      %swap3A_795 = vector.shape_cast %add3A_786 : vector<16xi32> to vector<16xi32>
      tpu.vector_store %swap3A_791[%swap3A_792], %swap3A_795 {strides = array<i32>} : memref<128xi32, #tpu.memory_space<vmem>>, vector<16xi32>,
      %get3A_796 = arith.constant 4 : i32
      %get3A_797 = arith.constant 0 : i32
      %get3A_798 = arith.constant 0 : i32
      %get3A_799 = tpu.memref_slice %arg5[%get3A_796, %get3A_797, %get3A_798] : memref<5x1x128xi32, #tpu.memory_space<vmem>> -> memref<1x1x128xi32, #tpu.memory_space<vmem>>
      %get3A_800 = tpu.memref_squeeze %get3A_799 : memref<1x1x128xi32, #tpu.memory_space<vmem>> -> memref<128xi32, #tpu.memory_space<vmem>>
      %get3A_801 = arith.constant 16 : index
      %get3A_802 = tpu.vector_load %get3A_800[%get3A_801] {strides = array<i32>} : memref<128xi32, #tpu.memory_space<vmem>>, vector<16xi32>,
      %get3A_803 = vector.shape_cast %get3A_802 : vector<16xi32> to vector<16xi32>
      %add3A_804 = vector.broadcast %mul3A_6 : i32 to vector<16xi32>
      %add3A_805 = arith.addi %get3A_803, %add3A_804 : vector<16xi32>
      %swap3A_806 = arith.constant 4 : i32
      %swap3A_807 = arith.constant 0 : i32
      %swap3A_808 = arith.constant 0 : i32
      %swap3A_809 = tpu.memref_slice %arg5[%swap3A_806, %swap3A_807, %swap3A_808] : memref<5x1x128xi32, #tpu.memory_space<vmem>> -> memref<1x1x128xi32, #tpu.memory_space<vmem>>
      %swap3A_810 = tpu.memref_squeeze %swap3A_809 : memref<1x1x128xi32, #tpu.memory_space<vmem>> -> memref<128xi32, #tpu.memory_space<vmem>>
      %swap3A_811 = arith.constant 16 : index
      %swap3A_812 = tpu.vector_load %swap3A_810[%swap3A_811] {strides = array<i32>} : memref<128xi32, #tpu.memory_space<vmem>>, vector<16xi32>,
      %swap3A_813 = vector.shape_cast %swap3A_812 : vector<16xi32> to vector<16xi32>
      %swap3A_814 = vector.shape_cast %add3A_805 : vector<16xi32> to vector<16xi32>
      tpu.vector_store %swap3A_810[%swap3A_811], %swap3A_814 {strides = array<i32>} : memref<128xi32, #tpu.memory_space<vmem>>, vector<16xi32>,
      %get3A_815 = arith.constant 4 : i32
      %get3A_816 = arith.constant 0 : i32
      %get3A_817 = arith.constant 0 : i32
      %get3A_818 = tpu.memref_slice %arg5[%get3A_815, %get3A_816, %get3A_817] : memref<5x1x128xi32, #tpu.memory_space<vmem>> -> memref<1x1x128xi32, #tpu.memory_space<vmem>>
      %get3A_819 = tpu.memref_squeeze %get3A_818 : memref<1x1x128xi32, #tpu.memory_space<vmem>> -> memref<128xi32, #tpu.memory_space<vmem>>
      %get3A_820 = arith.constant 32 : index
      %get3A_821 = tpu.vector_load %get3A_819[%get3A_820] {strides = array<i32>} : memref<128xi32, #tpu.memory_space<vmem>>, vector<16xi32>,
      %get3A_822 = vector.shape_cast %get3A_821 : vector<16xi32> to vector<16xi32>
      %add3A_823 = vector.broadcast %mul3A_6 : i32 to vector<16xi32>
      %add3A_824 = arith.addi %get3A_822, %add3A_823 : vector<16xi32>
      %swap3A_825 = arith.constant 4 : i32
      %swap3A_826 = arith.constant 0 : i32
      %swap3A_827 = arith.constant 0 : i32
      %swap3A_828 = tpu.memref_slice %arg5[%swap3A_825, %swap3A_826, %swap3A_827] : memref<5x1x128xi32, #tpu.memory_space<vmem>> -> memref<1x1x128xi32, #tpu.memory_space<vmem>>
      %swap3A_829 = tpu.memref_squeeze %swap3A_828 : memref<1x1x128xi32, #tpu.memory_space<vmem>> -> memref<128xi32, #tpu.memory_space<vmem>>
      %swap3A_830 = arith.constant 32 : index
      %swap3A_831 = tpu.vector_load %swap3A_829[%swap3A_830] {strides = array<i32>} : memref<128xi32, #tpu.memory_space<vmem>>, vector<16xi32>,
      %swap3A_832 = vector.shape_cast %swap3A_831 : vector<16xi32> to vector<16xi32>
      %swap3A_833 = vector.shape_cast %add3A_824 : vector<16xi32> to vector<16xi32>
      tpu.vector_store %swap3A_829[%swap3A_830], %swap3A_833 {strides = array<i32>} : memref<128xi32, #tpu.memory_space<vmem>>, vector<16xi32>,
      %get3A_834 = arith.constant 4 : i32
      %get3A_835 = arith.constant 0 : i32
      %get3A_836 = arith.constant 0 : i32
      %get3A_837 = tpu.memref_slice %arg5[%get3A_834, %get3A_835, %get3A_836] : memref<5x1x128xi32, #tpu.memory_space<vmem>> -> memref<1x1x128xi32, #tpu.memory_space<vmem>>
      %get3A_838 = tpu.memref_squeeze %get3A_837 : memref<1x1x128xi32, #tpu.memory_space<vmem>> -> memref<128xi32, #tpu.memory_space<vmem>>
      %get3A_839 = arith.constant 48 : index
      %get3A_840 = tpu.vector_load %get3A_838[%get3A_839] {strides = array<i32>} : memref<128xi32, #tpu.memory_space<vmem>>, vector<16xi32>,
      %get3A_841 = vector.shape_cast %get3A_840 : vector<16xi32> to vector<16xi32>
      %add3A_842 = vector.broadcast %mul3A_6 : i32 to vector<16xi32>
      %add3A_843 = arith.addi %get3A_841, %add3A_842 : vector<16xi32>
      %swap3A_844 = arith.constant 4 : i32
      %swap3A_845 = arith.constant 0 : i32
      %swap3A_846 = arith.constant 0 : i32
      %swap3A_847 = tpu.memref_slice %arg5[%swap3A_844, %swap3A_845, %swap3A_846] : memref<5x1x128xi32, #tpu.memory_space<vmem>> -> memref<1x1x128xi32, #tpu.memory_space<vmem>>
      %swap3A_848 = tpu.memref_squeeze %swap3A_847 : memref<1x1x128xi32, #tpu.memory_space<vmem>> -> memref<128xi32, #tpu.memory_space<vmem>>
      %swap3A_849 = arith.constant 48 : index
      %swap3A_850 = tpu.vector_load %swap3A_848[%swap3A_849] {strides = array<i32>} : memref<128xi32, #tpu.memory_space<vmem>>, vector<16xi32>,
      %swap3A_851 = vector.shape_cast %swap3A_850 : vector<16xi32> to vector<16xi32>
      %swap3A_852 = vector.shape_cast %add3A_843 : vector<16xi32> to vector<16xi32>
      tpu.vector_store %swap3A_848[%swap3A_849], %swap3A_852 {strides = array<i32>} : memref<128xi32, #tpu.memory_space<vmem>>, vector<16xi32>,
      %get3A_853 = arith.constant 4 : i32
      %get3A_854 = arith.constant 0 : i32
      %get3A_855 = arith.constant 0 : i32
      %get3A_856 = tpu.memref_slice %arg5[%get3A_853, %get3A_854, %get3A_855] : memref<5x1x128xi32, #tpu.memory_space<vmem>> -> memref<1x1x128xi32, #tpu.memory_space<vmem>>
      %get3A_857 = tpu.memref_squeeze %get3A_856 : memref<1x1x128xi32, #tpu.memory_space<vmem>> -> memref<128xi32, #tpu.memory_space<vmem>>
      %get3A_858 = arith.constant 64 : index
      %get3A_859 = tpu.vector_load %get3A_857[%get3A_858] {strides = array<i32>} : memref<128xi32, #tpu.memory_space<vmem>>, vector<16xi32>,
      %get3A_860 = vector.shape_cast %get3A_859 : vector<16xi32> to vector<16xi32>
      %add3A_861 = vector.broadcast %mul3A_6 : i32 to vector<16xi32>
      %add3A_862 = arith.addi %get3A_860, %add3A_861 : vector<16xi32>
      %swap3A_863 = arith.constant 4 : i32
      %swap3A_864 = arith.constant 0 : i32
      %swap3A_865 = arith.constant 0 : i32
      %swap3A_866 = tpu.memref_slice %arg5[%swap3A_863, %swap3A_864, %swap3A_865] : memref<5x1x128xi32, #tpu.memory_space<vmem>> -> memref<1x1x128xi32, #tpu.memory_space<vmem>>
      %swap3A_867 = tpu.memref_squeeze %swap3A_866 : memref<1x1x128xi32, #tpu.memory_space<vmem>> -> memref<128xi32, #tpu.memory_space<vmem>>
      %swap3A_868 = arith.constant 64 : index
      %swap3A_869 = tpu.vector_load %swap3A_867[%swap3A_868] {strides = array<i32>} : memref<128xi32, #tpu.memory_space<vmem>>, vector<16xi32>,
      %swap3A_870 = vector.shape_cast %swap3A_869 : vector<16xi32> to vector<16xi32>
      %swap3A_871 = vector.shape_cast %add3A_862 : vector<16xi32> to vector<16xi32>
      tpu.vector_store %swap3A_867[%swap3A_868], %swap3A_871 {strides = array<i32>} : memref<128xi32, #tpu.memory_space<vmem>>, vector<16xi32>,
      %get3A_872 = arith.constant 4 : i32
      %get3A_873 = arith.constant 0 : i32
      %get3A_874 = arith.constant 0 : i32
      %get3A_875 = tpu.memref_slice %arg5[%get3A_872, %get3A_873, %get3A_874] : memref<5x1x128xi32, #tpu.memory_space<vmem>> -> memref<1x1x128xi32, #tpu.memory_space<vmem>>
      %get3A_876 = tpu.memref_squeeze %get3A_875 : memref<1x1x128xi32, #tpu.memory_space<vmem>> -> memref<128xi32, #tpu.memory_space<vmem>>
      %get3A_877 = arith.constant 80 : index
      %get3A_878 = tpu.vector_load %get3A_876[%get3A_877] {strides = array<i32>} : memref<128xi32, #tpu.memory_space<vmem>>, vector<16xi32>,
      %get3A_879 = vector.shape_cast %get3A_878 : vector<16xi32> to vector<16xi32>
      %add3A_880 = vector.broadcast %mul3A_6 : i32 to vector<16xi32>
      %add3A_881 = arith.addi %get3A_879, %add3A_880 : vector<16xi32>
      %swap3A_882 = arith.constant 4 : i32
      %swap3A_883 = arith.constant 0 : i32
      %swap3A_884 = arith.constant 0 : i32
      %swap3A_885 = tpu.memref_slice %arg5[%swap3A_882, %swap3A_883, %swap3A_884] : memref<5x1x128xi32, #tpu.memory_space<vmem>> -> memref<1x1x128xi32, #tpu.memory_space<vmem>>
      %swap3A_886 = tpu.memref_squeeze %swap3A_885 : memref<1x1x128xi32, #tpu.memory_space<vmem>> -> memref<128xi32, #tpu.memory_space<vmem>>
      %swap3A_887 = arith.constant 80 : index
      %swap3A_888 = tpu.vector_load %swap3A_886[%swap3A_887] {strides = array<i32>} : memref<128xi32, #tpu.memory_space<vmem>>, vector<16xi32>,
      %swap3A_889 = vector.shape_cast %swap3A_888 : vector<16xi32> to vector<16xi32>
      %swap3A_890 = vector.shape_cast %add3A_881 : vector<16xi32> to vector<16xi32>
      tpu.vector_store %swap3A_886[%swap3A_887], %swap3A_890 {strides = array<i32>} : memref<128xi32, #tpu.memory_space<vmem>>, vector<16xi32>,
      %get3A_891 = arith.constant 4 : i32
      %get3A_892 = arith.constant 0 : i32
      %get3A_893 = arith.constant 0 : i32
      %get3A_894 = tpu.memref_slice %arg5[%get3A_891, %get3A_892, %get3A_893] : memref<5x1x128xi32, #tpu.memory_space<vmem>> -> memref<1x1x128xi32, #tpu.memory_space<vmem>>
      %get3A_895 = tpu.memref_squeeze %get3A_894 : memref<1x1x128xi32, #tpu.memory_space<vmem>> -> memref<128xi32, #tpu.memory_space<vmem>>
      %get3A_896 = arith.constant 96 : index
      %get3A_897 = tpu.vector_load %get3A_895[%get3A_896] {strides = array<i32>} : memref<128xi32, #tpu.memory_space<vmem>>, vector<16xi32>,
      %get3A_898 = vector.shape_cast %get3A_897 : vector<16xi32> to vector<16xi32>
      %add3A_899 = vector.broadcast %mul3A_6 : i32 to vector<16xi32>
      %add3A_900 = arith.addi %get3A_898, %add3A_899 : vector<16xi32>
      %swap3A_901 = arith.constant 4 : i32
      %swap3A_902 = arith.constant 0 : i32
      %swap3A_903 = arith.constant 0 : i32
      %swap3A_904 = tpu.memref_slice %arg5[%swap3A_901, %swap3A_902, %swap3A_903] : memref<5x1x128xi32, #tpu.memory_space<vmem>> -> memref<1x1x128xi32, #tpu.memory_space<vmem>>
      %swap3A_905 = tpu.memref_squeeze %swap3A_904 : memref<1x1x128xi32, #tpu.memory_space<vmem>> -> memref<128xi32, #tpu.memory_space<vmem>>
      %swap3A_906 = arith.constant 96 : index
      %swap3A_907 = tpu.vector_load %swap3A_905[%swap3A_906] {strides = array<i32>} : memref<128xi32, #tpu.memory_space<vmem>>, vector<16xi32>,
      %swap3A_908 = vector.shape_cast %swap3A_907 : vector<16xi32> to vector<16xi32>
      %swap3A_909 = vector.shape_cast %add3A_900 : vector<16xi32> to vector<16xi32>
      tpu.vector_store %swap3A_905[%swap3A_906], %swap3A_909 {strides = array<i32>} : memref<128xi32, #tpu.memory_space<vmem>>, vector<16xi32>,
      %get3A_910 = arith.constant 4 : i32
      %get3A_911 = arith.constant 0 : i32
      %get3A_912 = arith.constant 0 : i32
      %get3A_913 = tpu.memref_slice %arg5[%get3A_910, %get3A_911, %get3A_912] : memref<5x1x128xi32, #tpu.memory_space<vmem>> -> memref<1x1x128xi32, #tpu.memory_space<vmem>>
      %get3A_914 = tpu.memref_squeeze %get3A_913 : memref<1x1x128xi32, #tpu.memory_space<vmem>> -> memref<128xi32, #tpu.memory_space<vmem>>
      %get3A_915 = arith.constant 112 : index
      %get3A_916 = tpu.vector_load %get3A_914[%get3A_915] {strides = array<i32>} : memref<128xi32, #tpu.memory_space<vmem>>, vector<16xi32>,
      %get3A_917 = vector.shape_cast %get3A_916 : vector<16xi32> to vector<16xi32>
      %add3A_918 = vector.broadcast %mul3A_6 : i32 to vector<16xi32>
      %add3A_919 = arith.addi %get3A_917, %add3A_918 : vector<16xi32>
      %swap3A_920 = arith.constant 4 : i32
      %swap3A_921 = arith.constant 0 : i32
      %swap3A_922 = arith.constant 0 : i32
      %swap3A_923 = tpu.memref_slice %arg5[%swap3A_920, %swap3A_921, %swap3A_922] : memref<5x1x128xi32, #tpu.memory_space<vmem>> -> memref<1x1x128xi32, #tpu.memory_space<vmem>>
      %swap3A_924 = tpu.memref_squeeze %swap3A_923 : memref<1x1x128xi32, #tpu.memory_space<vmem>> -> memref<128xi32, #tpu.memory_space<vmem>>
      %swap3A_925 = arith.constant 112 : index
      %swap3A_926 = tpu.vector_load %swap3A_924[%swap3A_925] {strides = array<i32>} : memref<128xi32, #tpu.memory_space<vmem>>, vector<16xi32>,
      %swap3A_927 = vector.shape_cast %swap3A_926 : vector<16xi32> to vector<16xi32>
      %swap3A_928 = vector.shape_cast %add3A_919 : vector<16xi32> to vector<16xi32>
      tpu.vector_store %swap3A_924[%swap3A_925], %swap3A_928 {strides = array<i32>} : memref<128xi32, #tpu.memory_space<vmem>>, vector<16xi32>,
      %dma_start3A_929 = arith.constant 4 : i32
      %dma_start3A_930 = arith.constant 0 : i32
      %dma_start3A_931 = arith.constant 4 : i32
      %dma_start3A_932 = arith.constant 0 : i32
      %dma_start3A_933 = arith.constant 0 : i32
      %dma_start3A_934 = tpu.memref_slice %arg6[%dma_start3A_931, %dma_start3A_932, %dma_start3A_933] : memref<5x128x128xf32, #tpu.memory_space<vmem>> -> memref<1x128x128xf32, #tpu.memory_space<vmem>>
      %dma_start3A_935 = tpu.memref_squeeze %dma_start3A_934 : memref<1x128x128xf32, #tpu.memory_space<vmem>> -> memref<128x128xf32, #tpu.memory_space<vmem>>
      %dma_start3A_936 = arith.constant 0 : i32
      %dma_start3A_937 = tpu.memref_slice %arg5[%dma_start3A_929, %dma_start3A_930, %dma_start3A_936] : memref<5x1x128xi32, #tpu.memory_space<vmem>> -> memref<1x1x128xi32, #tpu.memory_space<vmem>>
      %dma_start3A_938 = tpu.memref_squeeze %dma_start3A_937 : memref<1x1x128xi32, #tpu.memory_space<vmem>> -> memref<128xi32, #tpu.memory_space<vmem>>
      %dma_start3A_939 = arith.constant 0 : i32
      %dma_start3A_940 = arith.constant 0 : i32
      %dma_start3A_941 = tpu.memref_slice %arg3[%dma_start3A_939, %dma_start3A_940] : memref<672x128xf32, #tpu.memory_space<hbm>> -> memref<672x128xf32, #tpu.memory_space<hbm>>
      tpu.enqueue_indirect_dma source(%dma_start3A_941 : memref<672x128xf32, #tpu.memory_space<hbm>>) target(%dma_start3A_935 : memref<128x128xf32, #tpu.memory_space<vmem>>) offsets(%dma_start3A_938 : memref<128xi32, #tpu.memory_space<vmem>>) semaphore(%arg11 : memref<!tpu.dma_semaphore, #tpu.memory_space<semaphore_mem>>)
      %dma_wait3A_942 = arith.constant 0 : i32
      %dma_wait3A_943 = arith.constant 0 : i32
      %dma_wait3A_944 = arith.constant 0 : i32
      %dma_wait3A_945 = arith.constant 0 : i32
      %dma_wait3A_946 = arith.constant 0 : i32
      %dma_wait3A_947 = tpu.memref_slice %arg6[%dma_wait3A_944, %dma_wait3A_945, %dma_wait3A_946] : memref<5x128x128xf32, #tpu.memory_space<vmem>> -> memref<1x128x128xf32, #tpu.memory_space<vmem>>
      %dma_wait3A_948 = tpu.memref_squeeze %dma_wait3A_947 : memref<1x128x128xf32, #tpu.memory_space<vmem>> -> memref<128x128xf32, #tpu.memory_space<vmem>>
      %dma_wait3A_949 = arith.constant 0 : i32
      %dma_wait3A_950 = tpu.memref_slice %arg5[%dma_wait3A_942, %dma_wait3A_943, %dma_wait3A_949] : memref<5x1x128xi32, #tpu.memory_space<vmem>> -> memref<1x1x128xi32, #tpu.memory_space<vmem>>
      %dma_wait3A_951 = tpu.memref_squeeze %dma_wait3A_950 : memref<1x1x128xi32, #tpu.memory_space<vmem>> -> memref<128xi32, #tpu.memory_space<vmem>>
      %dma_wait3A_952 = arith.constant 0 : i32
      %dma_wait3A_953 = arith.constant 0 : i32
      %dma_wait3A_954 = tpu.memref_slice %arg3[%dma_wait3A_952, %dma_wait3A_953] : memref<672x128xf32, #tpu.memory_space<hbm>> -> memref<672x128xf32, #tpu.memory_space<hbm>>
      tpu.wait_indirect_dma semaphore(%arg7 : memref<!tpu.dma_semaphore, #tpu.memory_space<semaphore_mem>>) src(%dma_wait3A_954 : memref<672x128xf32, #tpu.memory_space<hbm>>) dst(%dma_wait3A_948 : memref<128x128xf32, #tpu.memory_space<vmem>>)
      %add3A_955 = arith.constant 0 : i32
      %add3A_956 = arith.addi %mul3A_78, %add3A_955 : i32
      %mul3A_957 = arith.constant 128 : i32
      %mul3A_958 = arith.muli %add3A_956, %mul3A_957 : i32
      %add3A_959 = arith.addi %mul3A_4, %mul3A_958 : i32
      %dma_start3A_960 = arith.constant 0 : i32
      %dma_start3A_961 = arith.constant 0 : i32
      %dma_start3A_962 = arith.constant 0 : i32
      %dma_start3A_963 = tpu.memref_slice %arg6[%dma_start3A_960, %dma_start3A_961, %dma_start3A_962] : memref<5x128x128xf32, #tpu.memory_space<vmem>> -> memref<1x128x128xf32, #tpu.memory_space<vmem>>
      %dma_start3A_964 = tpu.memref_squeeze %dma_start3A_963 : memref<1x128x128xf32, #tpu.memory_space<vmem>> -> memref<128x128xf32, #tpu.memory_space<vmem>>
      %dma_start3A_965 = arith.constant 0 : i32
      %dma_start3A_966 = tpu.memref_slice %arg4[%add3A_959, %dma_start3A_965] : memref<3276800x128xf32, #tpu.memory_space<hbm>> -> memref<128x128xf32, #tpu.memory_space<hbm>>
      %dma_start3A_967 = arith.constant 0 : i32
      %dma_start3A_968 = tpu.memref_slice %arg4[%add3A_959, %dma_start3A_967] : memref<3276800x128xf32, #tpu.memory_space<hbm>> -> memref<128x128xf32, #tpu.memory_space<hbm>>
      %dma_start3A_969 = arith.constant 0 : i32
      %dma_start3A_970 = arith.constant 0 : i32
      %dma_start3A_971 = tpu.memref_slice %arg6[%dma_start3A_960, %dma_start3A_969, %dma_start3A_970] : memref<5x128x128xf32, #tpu.memory_space<vmem>> -> memref<1x128x128xf32, #tpu.memory_space<vmem>>
      %dma_start3A_972 = tpu.memref_squeeze %dma_start3A_971 : memref<1x128x128xf32, #tpu.memory_space<vmem>> -> memref<128x128xf32, #tpu.memory_space<vmem>>
      tpu.enqueue_dma source(%dma_start3A_972 : memref<128x128xf32, #tpu.memory_space<vmem>>) target(%dma_start3A_968 : memref<128x128xf32, #tpu.memory_space<hbm>>) target_semaphore(%arg12 : memref<!tpu.dma_semaphore, #tpu.memory_space<semaphore_mem>>)
      %dma_wait3A_973 = arith.constant 1 : i32
      %dma_wait3A_974 = arith.constant 0 : i32
      %dma_wait3A_975 = arith.constant 1 : i32
      %dma_wait3A_976 = arith.constant 0 : i32
      %dma_wait3A_977 = arith.constant 0 : i32
      %dma_wait3A_978 = tpu.memref_slice %arg6[%dma_wait3A_975, %dma_wait3A_976, %dma_wait3A_977] : memref<5x128x128xf32, #tpu.memory_space<vmem>> -> memref<1x128x128xf32, #tpu.memory_space<vmem>>
      %dma_wait3A_979 = tpu.memref_squeeze %dma_wait3A_978 : memref<1x128x128xf32, #tpu.memory_space<vmem>> -> memref<128x128xf32, #tpu.memory_space<vmem>>
      %dma_wait3A_980 = arith.constant 0 : i32
      %dma_wait3A_981 = tpu.memref_slice %arg5[%dma_wait3A_973, %dma_wait3A_974, %dma_wait3A_980] : memref<5x1x128xi32, #tpu.memory_space<vmem>> -> memref<1x1x128xi32, #tpu.memory_space<vmem>>
      %dma_wait3A_982 = tpu.memref_squeeze %dma_wait3A_981 : memref<1x1x128xi32, #tpu.memory_space<vmem>> -> memref<128xi32, #tpu.memory_space<vmem>>
      %dma_wait3A_983 = arith.constant 0 : i32
      %dma_wait3A_984 = arith.constant 0 : i32
      %dma_wait3A_985 = tpu.memref_slice %arg3[%dma_wait3A_983, %dma_wait3A_984] : memref<672x128xf32, #tpu.memory_space<hbm>> -> memref<672x128xf32, #tpu.memory_space<hbm>>
      tpu.wait_indirect_dma semaphore(%arg8 : memref<!tpu.dma_semaphore, #tpu.memory_space<semaphore_mem>>) src(%dma_wait3A_985 : memref<672x128xf32, #tpu.memory_space<hbm>>) dst(%dma_wait3A_979 : memref<128x128xf32, #tpu.memory_space<vmem>>)
      %add3A_986 = arith.constant 1 : i32
      %add3A_987 = arith.addi %mul3A_78, %add3A_986 : i32
      %mul3A_988 = arith.constant 128 : i32
      %mul3A_989 = arith.muli %add3A_987, %mul3A_988 : i32
      %add3A_990 = arith.addi %mul3A_4, %mul3A_989 : i32
      %dma_start3A_991 = arith.constant 1 : i32
      %dma_start3A_992 = arith.constant 0 : i32
      %dma_start3A_993 = arith.constant 0 : i32
      %dma_start3A_994 = tpu.memref_slice %arg6[%dma_start3A_991, %dma_start3A_992, %dma_start3A_993] : memref<5x128x128xf32, #tpu.memory_space<vmem>> -> memref<1x128x128xf32, #tpu.memory_space<vmem>>
      %dma_start3A_995 = tpu.memref_squeeze %dma_start3A_994 : memref<1x128x128xf32, #tpu.memory_space<vmem>> -> memref<128x128xf32, #tpu.memory_space<vmem>>
      %dma_start3A_996 = arith.constant 0 : i32
      %dma_start3A_997 = tpu.memref_slice %arg4[%add3A_990, %dma_start3A_996] : memref<3276800x128xf32, #tpu.memory_space<hbm>> -> memref<128x128xf32, #tpu.memory_space<hbm>>
      %dma_start3A_998 = arith.constant 0 : i32
      %dma_start3A_999 = tpu.memref_slice %arg4[%add3A_990, %dma_start3A_998] : memref<3276800x128xf32, #tpu.memory_space<hbm>> -> memref<128x128xf32, #tpu.memory_space<hbm>>
      %dma_start3A_1000 = arith.constant 0 : i32
      %dma_start3A_1001 = arith.constant 0 : i32
      %dma_start3A_1002 = tpu.memref_slice %arg6[%dma_start3A_991, %dma_start3A_1000, %dma_start3A_1001] : memref<5x128x128xf32, #tpu.memory_space<vmem>> -> memref<1x128x128xf32, #tpu.memory_space<vmem>>
      %dma_start3A_1003 = tpu.memref_squeeze %dma_start3A_1002 : memref<1x128x128xf32, #tpu.memory_space<vmem>> -> memref<128x128xf32, #tpu.memory_space<vmem>>
      tpu.enqueue_dma source(%dma_start3A_1003 : memref<128x128xf32, #tpu.memory_space<vmem>>) target(%dma_start3A_999 : memref<128x128xf32, #tpu.memory_space<hbm>>) target_semaphore(%arg13 : memref<!tpu.dma_semaphore, #tpu.memory_space<semaphore_mem>>)
      %dma_wait3A_1004 = arith.constant 2 : i32
      %dma_wait3A_1005 = arith.constant 0 : i32
      %dma_wait3A_1006 = arith.constant 2 : i32
      %dma_wait3A_1007 = arith.constant 0 : i32
      %dma_wait3A_1008 = arith.constant 0 : i32
      %dma_wait3A_1009 = tpu.memref_slice %arg6[%dma_wait3A_1006, %dma_wait3A_1007, %dma_wait3A_1008] : memref<5x128x128xf32, #tpu.memory_space<vmem>> -> memref<1x128x128xf32, #tpu.memory_space<vmem>>
      %dma_wait3A_1010 = tpu.memref_squeeze %dma_wait3A_1009 : memref<1x128x128xf32, #tpu.memory_space<vmem>> -> memref<128x128xf32, #tpu.memory_space<vmem>>
      %dma_wait3A_1011 = arith.constant 0 : i32
      %dma_wait3A_1012 = tpu.memref_slice %arg5[%dma_wait3A_1004, %dma_wait3A_1005, %dma_wait3A_1011] : memref<5x1x128xi32, #tpu.memory_space<vmem>> -> memref<1x1x128xi32, #tpu.memory_space<vmem>>
      %dma_wait3A_1013 = tpu.memref_squeeze %dma_wait3A_1012 : memref<1x1x128xi32, #tpu.memory_space<vmem>> -> memref<128xi32, #tpu.memory_space<vmem>>
      %dma_wait3A_1014 = arith.constant 0 : i32
      %dma_wait3A_1015 = arith.constant 0 : i32
      %dma_wait3A_1016 = tpu.memref_slice %arg3[%dma_wait3A_1014, %dma_wait3A_1015] : memref<672x128xf32, #tpu.memory_space<hbm>> -> memref<672x128xf32, #tpu.memory_space<hbm>>
      tpu.wait_indirect_dma semaphore(%arg9 : memref<!tpu.dma_semaphore, #tpu.memory_space<semaphore_mem>>) src(%dma_wait3A_1016 : memref<672x128xf32, #tpu.memory_space<hbm>>) dst(%dma_wait3A_1010 : memref<128x128xf32, #tpu.memory_space<vmem>>)
      %add3A_1017 = arith.constant 2 : i32
      %add3A_1018 = arith.addi %mul3A_78, %add3A_1017 : i32
      %mul3A_1019 = arith.constant 128 : i32
      %mul3A_1020 = arith.muli %add3A_1018, %mul3A_1019 : i32
      %add3A_1021 = arith.addi %mul3A_4, %mul3A_1020 : i32
      %dma_start3A_1022 = arith.constant 2 : i32
      %dma_start3A_1023 = arith.constant 0 : i32
      %dma_start3A_1024 = arith.constant 0 : i32
      %dma_start3A_1025 = tpu.memref_slice %arg6[%dma_start3A_1022, %dma_start3A_1023, %dma_start3A_1024] : memref<5x128x128xf32, #tpu.memory_space<vmem>> -> memref<1x128x128xf32, #tpu.memory_space<vmem>>
      %dma_start3A_1026 = tpu.memref_squeeze %dma_start3A_1025 : memref<1x128x128xf32, #tpu.memory_space<vmem>> -> memref<128x128xf32, #tpu.memory_space<vmem>>
      %dma_start3A_1027 = arith.constant 0 : i32
      %dma_start3A_1028 = tpu.memref_slice %arg4[%add3A_1021, %dma_start3A_1027] : memref<3276800x128xf32, #tpu.memory_space<hbm>> -> memref<128x128xf32, #tpu.memory_space<hbm>>
      %dma_start3A_1029 = arith.constant 0 : i32
      %dma_start3A_1030 = tpu.memref_slice %arg4[%add3A_1021, %dma_start3A_1029] : memref<3276800x128xf32, #tpu.memory_space<hbm>> -> memref<128x128xf32, #tpu.memory_space<hbm>>
      %dma_start3A_1031 = arith.constant 0 : i32
      %dma_start3A_1032 = arith.constant 0 : i32
      %dma_start3A_1033 = tpu.memref_slice %arg6[%dma_start3A_1022, %dma_start3A_1031, %dma_start3A_1032] : memref<5x128x128xf32, #tpu.memory_space<vmem>> -> memref<1x128x128xf32, #tpu.memory_space<vmem>>
      %dma_start3A_1034 = tpu.memref_squeeze %dma_start3A_1033 : memref<1x128x128xf32, #tpu.memory_space<vmem>> -> memref<128x128xf32, #tpu.memory_space<vmem>>
      tpu.enqueue_dma source(%dma_start3A_1034 : memref<128x128xf32, #tpu.memory_space<vmem>>) target(%dma_start3A_1030 : memref<128x128xf32, #tpu.memory_space<hbm>>) target_semaphore(%arg14 : memref<!tpu.dma_semaphore, #tpu.memory_space<semaphore_mem>>)
      %dma_wait3A_1035 = arith.constant 3 : i32
      %dma_wait3A_1036 = arith.constant 0 : i32
      %dma_wait3A_1037 = arith.constant 3 : i32
      %dma_wait3A_1038 = arith.constant 0 : i32
      %dma_wait3A_1039 = arith.constant 0 : i32
      %dma_wait3A_1040 = tpu.memref_slice %arg6[%dma_wait3A_1037, %dma_wait3A_1038, %dma_wait3A_1039] : memref<5x128x128xf32, #tpu.memory_space<vmem>> -> memref<1x128x128xf32, #tpu.memory_space<vmem>>
      %dma_wait3A_1041 = tpu.memref_squeeze %dma_wait3A_1040 : memref<1x128x128xf32, #tpu.memory_space<vmem>> -> memref<128x128xf32, #tpu.memory_space<vmem>>
      %dma_wait3A_1042 = arith.constant 0 : i32
      %dma_wait3A_1043 = tpu.memref_slice %arg5[%dma_wait3A_1035, %dma_wait3A_1036, %dma_wait3A_1042] : memref<5x1x128xi32, #tpu.memory_space<vmem>> -> memref<1x1x128xi32, #tpu.memory_space<vmem>>
      %dma_wait3A_1044 = tpu.memref_squeeze %dma_wait3A_1043 : memref<1x1x128xi32, #tpu.memory_space<vmem>> -> memref<128xi32, #tpu.memory_space<vmem>>
      %dma_wait3A_1045 = arith.constant 0 : i32
      %dma_wait3A_1046 = arith.constant 0 : i32
      %dma_wait3A_1047 = tpu.memref_slice %arg3[%dma_wait3A_1045, %dma_wait3A_1046] : memref<672x128xf32, #tpu.memory_space<hbm>> -> memref<672x128xf32, #tpu.memory_space<hbm>>
      tpu.wait_indirect_dma semaphore(%arg10 : memref<!tpu.dma_semaphore, #tpu.memory_space<semaphore_mem>>) src(%dma_wait3A_1047 : memref<672x128xf32, #tpu.memory_space<hbm>>) dst(%dma_wait3A_1041 : memref<128x128xf32, #tpu.memory_space<vmem>>)
      %add3A_1048 = arith.constant 3 : i32
      %add3A_1049 = arith.addi %mul3A_78, %add3A_1048 : i32
      %mul3A_1050 = arith.constant 128 : i32
      %mul3A_1051 = arith.muli %add3A_1049, %mul3A_1050 : i32
      %add3A_1052 = arith.addi %mul3A_4, %mul3A_1051 : i32
      %dma_start3A_1053 = arith.constant 3 : i32
      %dma_start3A_1054 = arith.constant 0 : i32
      %dma_start3A_1055 = arith.constant 0 : i32
      %dma_start3A_1056 = tpu.memref_slice %arg6[%dma_start3A_1053, %dma_start3A_1054, %dma_start3A_1055] : memref<5x128x128xf32, #tpu.memory_space<vmem>> -> memref<1x128x128xf32, #tpu.memory_space<vmem>>
      %dma_start3A_1057 = tpu.memref_squeeze %dma_start3A_1056 : memref<1x128x128xf32, #tpu.memory_space<vmem>> -> memref<128x128xf32, #tpu.memory_space<vmem>>
      %dma_start3A_1058 = arith.constant 0 : i32
      %dma_start3A_1059 = tpu.memref_slice %arg4[%add3A_1052, %dma_start3A_1058] : memref<3276800x128xf32, #tpu.memory_space<hbm>> -> memref<128x128xf32, #tpu.memory_space<hbm>>
      %dma_start3A_1060 = arith.constant 0 : i32
      %dma_start3A_1061 = tpu.memref_slice %arg4[%add3A_1052, %dma_start3A_1060] : memref<3276800x128xf32, #tpu.memory_space<hbm>> -> memref<128x128xf32, #tpu.memory_space<hbm>>
      %dma_start3A_1062 = arith.constant 0 : i32
      %dma_start3A_1063 = arith.constant 0 : i32
      %dma_start3A_1064 = tpu.memref_slice %arg6[%dma_start3A_1053, %dma_start3A_1062, %dma_start3A_1063] : memref<5x128x128xf32, #tpu.memory_space<vmem>> -> memref<1x128x128xf32, #tpu.memory_space<vmem>>
      %dma_start3A_1065 = tpu.memref_squeeze %dma_start3A_1064 : memref<1x128x128xf32, #tpu.memory_space<vmem>> -> memref<128x128xf32, #tpu.memory_space<vmem>>
      tpu.enqueue_dma source(%dma_start3A_1065 : memref<128x128xf32, #tpu.memory_space<vmem>>) target(%dma_start3A_1061 : memref<128x128xf32, #tpu.memory_space<hbm>>) target_semaphore(%arg15 : memref<!tpu.dma_semaphore, #tpu.memory_space<semaphore_mem>>)
      %dma_wait3A_1066 = arith.constant 4 : i32
      %dma_wait3A_1067 = arith.constant 0 : i32
      %dma_wait3A_1068 = arith.constant 4 : i32
      %dma_wait3A_1069 = arith.constant 0 : i32
      %dma_wait3A_1070 = arith.constant 0 : i32
      %dma_wait3A_1071 = tpu.memref_slice %arg6[%dma_wait3A_1068, %dma_wait3A_1069, %dma_wait3A_1070] : memref<5x128x128xf32, #tpu.memory_space<vmem>> -> memref<1x128x128xf32, #tpu.memory_space<vmem>>
      %dma_wait3A_1072 = tpu.memref_squeeze %dma_wait3A_1071 : memref<1x128x128xf32, #tpu.memory_space<vmem>> -> memref<128x128xf32, #tpu.memory_space<vmem>>
      %dma_wait3A_1073 = arith.constant 0 : i32
      %dma_wait3A_1074 = tpu.memref_slice %arg5[%dma_wait3A_1066, %dma_wait3A_1067, %dma_wait3A_1073] : memref<5x1x128xi32, #tpu.memory_space<vmem>> -> memref<1x1x128xi32, #tpu.memory_space<vmem>>
      %dma_wait3A_1075 = tpu.memref_squeeze %dma_wait3A_1074 : memref<1x1x128xi32, #tpu.memory_space<vmem>> -> memref<128xi32, #tpu.memory_space<vmem>>
      %dma_wait3A_1076 = arith.constant 0 : i32
      %dma_wait3A_1077 = arith.constant 0 : i32
      %dma_wait3A_1078 = tpu.memref_slice %arg3[%dma_wait3A_1076, %dma_wait3A_1077] : memref<672x128xf32, #tpu.memory_space<hbm>> -> memref<672x128xf32, #tpu.memory_space<hbm>>
      tpu.wait_indirect_dma semaphore(%arg11 : memref<!tpu.dma_semaphore, #tpu.memory_space<semaphore_mem>>) src(%dma_wait3A_1078 : memref<672x128xf32, #tpu.memory_space<hbm>>) dst(%dma_wait3A_1072 : memref<128x128xf32, #tpu.memory_space<vmem>>)
      %add3A_1079 = arith.constant 4 : i32
      %add3A_1080 = arith.addi %mul3A_78, %add3A_1079 : i32
      %mul3A_1081 = arith.constant 128 : i32
      %mul3A_1082 = arith.muli %add3A_1080, %mul3A_1081 : i32
      %add3A_1083 = arith.addi %mul3A_4, %mul3A_1082 : i32
      %dma_start3A_1084 = arith.constant 4 : i32
      %dma_start3A_1085 = arith.constant 0 : i32
      %dma_start3A_1086 = arith.constant 0 : i32
      %dma_start3A_1087 = tpu.memref_slice %arg6[%dma_start3A_1084, %dma_start3A_1085, %dma_start3A_1086] : memref<5x128x128xf32, #tpu.memory_space<vmem>> -> memref<1x128x128xf32, #tpu.memory_space<vmem>>
      %dma_start3A_1088 = tpu.memref_squeeze %dma_start3A_1087 : memref<1x128x128xf32, #tpu.memory_space<vmem>> -> memref<128x128xf32, #tpu.memory_space<vmem>>
      %dma_start3A_1089 = arith.constant 0 : i32
      %dma_start3A_1090 = tpu.memref_slice %arg4[%add3A_1083, %dma_start3A_1089] : memref<3276800x128xf32, #tpu.memory_space<hbm>> -> memref<128x128xf32, #tpu.memory_space<hbm>>
      %dma_start3A_1091 = arith.constant 0 : i32
      %dma_start3A_1092 = tpu.memref_slice %arg4[%add3A_1083, %dma_start3A_1091] : memref<3276800x128xf32, #tpu.memory_space<hbm>> -> memref<128x128xf32, #tpu.memory_space<hbm>>
      %dma_start3A_1093 = arith.constant 0 : i32
      %dma_start3A_1094 = arith.constant 0 : i32
      %dma_start3A_1095 = tpu.memref_slice %arg6[%dma_start3A_1084, %dma_start3A_1093, %dma_start3A_1094] : memref<5x128x128xf32, #tpu.memory_space<vmem>> -> memref<1x128x128xf32, #tpu.memory_space<vmem>>
      %dma_start3A_1096 = tpu.memref_squeeze %dma_start3A_1095 : memref<1x128x128xf32, #tpu.memory_space<vmem>> -> memref<128x128xf32, #tpu.memory_space<vmem>>
      tpu.enqueue_dma source(%dma_start3A_1096 : memref<128x128xf32, #tpu.memory_space<vmem>>) target(%dma_start3A_1092 : memref<128x128xf32, #tpu.memory_space<hbm>>) target_semaphore(%arg16 : memref<!tpu.dma_semaphore, #tpu.memory_space<semaphore_mem>>)
    }
    %scan3A_11 = arith.constant 160 : i32
    %dma_wait3A = arith.constant 0 : i32
    %dma_wait3A_12 = arith.constant 0 : i32
    %dma_wait3A_13 = arith.constant 0 : i32
    %dma_wait3A_14 = tpu.memref_slice %arg6[%dma_wait3A, %dma_wait3A_12, %dma_wait3A_13] : memref<5x128x128xf32, #tpu.memory_space<vmem>> -> memref<1x128x128xf32, #tpu.memory_space<vmem>>
    %dma_wait3A_15 = tpu.memref_squeeze %dma_wait3A_14 : memref<1x128x128xf32, #tpu.memory_space<vmem>> -> memref<128x128xf32, #tpu.memory_space<vmem>>
    %dma_wait3A_16 = arith.constant 0 : i32
    %dma_wait3A_17 = tpu.memref_slice %arg4[%mul3A_4, %dma_wait3A_16] : memref<3276800x128xf32, #tpu.memory_space<hbm>> -> memref<128x128xf32, #tpu.memory_space<hbm>>
    %dma_wait3A_18 = arith.constant 0 : i32
    %dma_wait3A_19 = tpu.memref_slice %arg4[%mul3A_4, %dma_wait3A_18] : memref<3276800x128xf32, #tpu.memory_space<hbm>> -> memref<128x128xf32, #tpu.memory_space<hbm>>
    %dma_wait3A_20 = arith.constant 0 : i32
    %dma_wait3A_21 = arith.constant 0 : i32
    %dma_wait3A_22 = tpu.memref_slice %arg6[%dma_wait3A, %dma_wait3A_20, %dma_wait3A_21] : memref<5x128x128xf32, #tpu.memory_space<vmem>> -> memref<1x128x128xf32, #tpu.memory_space<vmem>>
    %dma_wait3A_23 = tpu.memref_squeeze %dma_wait3A_22 : memref<1x128x128xf32, #tpu.memory_space<vmem>> -> memref<128x128xf32, #tpu.memory_space<vmem>>
    tpu.wait_dma2 semaphore(%arg12 : memref<!tpu.dma_semaphore, #tpu.memory_space<semaphore_mem>>) src(%dma_wait3A_23 : memref<128x128xf32, #tpu.memory_space<vmem>>) dst(%dma_wait3A_19 : memref<128x128xf32, #tpu.memory_space<hbm>>)
    %dma_wait3A_24 = arith.constant 1 : i32
    %dma_wait3A_25 = arith.constant 0 : i32
    %dma_wait3A_26 = arith.constant 0 : i32
    %dma_wait3A_27 = tpu.memref_slice %arg6[%dma_wait3A_24, %dma_wait3A_25, %dma_wait3A_26] : memref<5x128x128xf32, #tpu.memory_space<vmem>> -> memref<1x128x128xf32, #tpu.memory_space<vmem>>
    %dma_wait3A_28 = tpu.memref_squeeze %dma_wait3A_27 : memref<1x128x128xf32, #tpu.memory_space<vmem>> -> memref<128x128xf32, #tpu.memory_space<vmem>>
    %dma_wait3A_29 = arith.constant 0 : i32
    %dma_wait3A_30 = tpu.memref_slice %arg4[%mul3A_4, %dma_wait3A_29] : memref<3276800x128xf32, #tpu.memory_space<hbm>> -> memref<128x128xf32, #tpu.memory_space<hbm>>
    %dma_wait3A_31 = arith.constant 0 : i32
    %dma_wait3A_32 = tpu.memref_slice %arg4[%mul3A_4, %dma_wait3A_31] : memref<3276800x128xf32, #tpu.memory_space<hbm>> -> memref<128x128xf32, #tpu.memory_space<hbm>>
    %dma_wait3A_33 = arith.constant 0 : i32
    %dma_wait3A_34 = arith.constant 0 : i32
    %dma_wait3A_35 = tpu.memref_slice %arg6[%dma_wait3A_24, %dma_wait3A_33, %dma_wait3A_34] : memref<5x128x128xf32, #tpu.memory_space<vmem>> -> memref<1x128x128xf32, #tpu.memory_space<vmem>>
    %dma_wait3A_36 = tpu.memref_squeeze %dma_wait3A_35 : memref<1x128x128xf32, #tpu.memory_space<vmem>> -> memref<128x128xf32, #tpu.memory_space<vmem>>
    tpu.wait_dma2 semaphore(%arg13 : memref<!tpu.dma_semaphore, #tpu.memory_space<semaphore_mem>>) src(%dma_wait3A_36 : memref<128x128xf32, #tpu.memory_space<vmem>>) dst(%dma_wait3A_32 : memref<128x128xf32, #tpu.memory_space<hbm>>)
    %dma_wait3A_37 = arith.constant 2 : i32
    %dma_wait3A_38 = arith.constant 0 : i32
    %dma_wait3A_39 = arith.constant 0 : i32
    %dma_wait3A_40 = tpu.memref_slice %arg6[%dma_wait3A_37, %dma_wait3A_38, %dma_wait3A_39] : memref<5x128x128xf32, #tpu.memory_space<vmem>> -> memref<1x128x128xf32, #tpu.memory_space<vmem>>
    %dma_wait3A_41 = tpu.memref_squeeze %dma_wait3A_40 : memref<1x128x128xf32, #tpu.memory_space<vmem>> -> memref<128x128xf32, #tpu.memory_space<vmem>>
    %dma_wait3A_42 = arith.constant 0 : i32
    %dma_wait3A_43 = tpu.memref_slice %arg4[%mul3A_4, %dma_wait3A_42] : memref<3276800x128xf32, #tpu.memory_space<hbm>> -> memref<128x128xf32, #tpu.memory_space<hbm>>
    %dma_wait3A_44 = arith.constant 0 : i32
    %dma_wait3A_45 = tpu.memref_slice %arg4[%mul3A_4, %dma_wait3A_44] : memref<3276800x128xf32, #tpu.memory_space<hbm>> -> memref<128x128xf32, #tpu.memory_space<hbm>>
    %dma_wait3A_46 = arith.constant 0 : i32
    %dma_wait3A_47 = arith.constant 0 : i32
    %dma_wait3A_48 = tpu.memref_slice %arg6[%dma_wait3A_37, %dma_wait3A_46, %dma_wait3A_47] : memref<5x128x128xf32, #tpu.memory_space<vmem>> -> memref<1x128x128xf32, #tpu.memory_space<vmem>>
    %dma_wait3A_49 = tpu.memref_squeeze %dma_wait3A_48 : memref<1x128x128xf32, #tpu.memory_space<vmem>> -> memref<128x128xf32, #tpu.memory_space<vmem>>
    tpu.wait_dma2 semaphore(%arg14 : memref<!tpu.dma_semaphore, #tpu.memory_space<semaphore_mem>>) src(%dma_wait3A_49 : memref<128x128xf32, #tpu.memory_space<vmem>>) dst(%dma_wait3A_45 : memref<128x128xf32, #tpu.memory_space<hbm>>)
    %dma_wait3A_50 = arith.constant 3 : i32
    %dma_wait3A_51 = arith.constant 0 : i32
    %dma_wait3A_52 = arith.constant 0 : i32
    %dma_wait3A_53 = tpu.memref_slice %arg6[%dma_wait3A_50, %dma_wait3A_51, %dma_wait3A_52] : memref<5x128x128xf32, #tpu.memory_space<vmem>> -> memref<1x128x128xf32, #tpu.memory_space<vmem>>
    %dma_wait3A_54 = tpu.memref_squeeze %dma_wait3A_53 : memref<1x128x128xf32, #tpu.memory_space<vmem>> -> memref<128x128xf32, #tpu.memory_space<vmem>>
    %dma_wait3A_55 = arith.constant 0 : i32
    %dma_wait3A_56 = tpu.memref_slice %arg4[%mul3A_4, %dma_wait3A_55] : memref<3276800x128xf32, #tpu.memory_space<hbm>> -> memref<128x128xf32, #tpu.memory_space<hbm>>
    %dma_wait3A_57 = arith.constant 0 : i32
    %dma_wait3A_58 = tpu.memref_slice %arg4[%mul3A_4, %dma_wait3A_57] : memref<3276800x128xf32, #tpu.memory_space<hbm>> -> memref<128x128xf32, #tpu.memory_space<hbm>>
    %dma_wait3A_59 = arith.constant 0 : i32
    %dma_wait3A_60 = arith.constant 0 : i32
    %dma_wait3A_61 = tpu.memref_slice %arg6[%dma_wait3A_50, %dma_wait3A_59, %dma_wait3A_60] : memref<5x128x128xf32, #tpu.memory_space<vmem>> -> memref<1x128x128xf32, #tpu.memory_space<vmem>>
    %dma_wait3A_62 = tpu.memref_squeeze %dma_wait3A_61 : memref<1x128x128xf32, #tpu.memory_space<vmem>> -> memref<128x128xf32, #tpu.memory_space<vmem>>
    tpu.wait_dma2 semaphore(%arg15 : memref<!tpu.dma_semaphore, #tpu.memory_space<semaphore_mem>>) src(%dma_wait3A_62 : memref<128x128xf32, #tpu.memory_space<vmem>>) dst(%dma_wait3A_58 : memref<128x128xf32, #tpu.memory_space<hbm>>)
    %dma_wait3A_63 = arith.constant 4 : i32
    %dma_wait3A_64 = arith.constant 0 : i32
    %dma_wait3A_65 = arith.constant 0 : i32
    %dma_wait3A_66 = tpu.memref_slice %arg6[%dma_wait3A_63, %dma_wait3A_64, %dma_wait3A_65] : memref<5x128x128xf32, #tpu.memory_space<vmem>> -> memref<1x128x128xf32, #tpu.memory_space<vmem>>
    %dma_wait3A_67 = tpu.memref_squeeze %dma_wait3A_66 : memref<1x128x128xf32, #tpu.memory_space<vmem>> -> memref<128x128xf32, #tpu.memory_space<vmem>>
    %dma_wait3A_68 = arith.constant 0 : i32
    %dma_wait3A_69 = tpu.memref_slice %arg4[%mul3A_4, %dma_wait3A_68] : memref<3276800x128xf32, #tpu.memory_space<hbm>> -> memref<128x128xf32, #tpu.memory_space<hbm>>
    %dma_wait3A_70 = arith.constant 0 : i32
    %dma_wait3A_71 = tpu.memref_slice %arg4[%mul3A_4, %dma_wait3A_70] : memref<3276800x128xf32, #tpu.memory_space<hbm>> -> memref<128x128xf32, #tpu.memory_space<hbm>>
    %dma_wait3A_72 = arith.constant 0 : i32
    %dma_wait3A_73 = arith.constant 0 : i32
    %dma_wait3A_74 = tpu.memref_slice %arg6[%dma_wait3A_63, %dma_wait3A_72, %dma_wait3A_73] : memref<5x128x128xf32, #tpu.memory_space<vmem>> -> memref<1x128x128xf32, #tpu.memory_space<vmem>>
    %dma_wait3A_75 = tpu.memref_squeeze %dma_wait3A_74 : memref<1x128x128xf32, #tpu.memory_space<vmem>> -> memref<128x128xf32, #tpu.memory_space<vmem>>
    tpu.wait_dma2 semaphore(%arg16 : memref<!tpu.dma_semaphore, #tpu.memory_space<semaphore_mem>>) src(%dma_wait3A_75 : memref<128x128xf32, #tpu.memory_space<vmem>>) dst(%dma_wait3A_71 : memref<128x128xf32, #tpu.memory_space<hbm>>)
    return
  }
}

</mosaic_0001>

<sc_bundles>
// kernel: _sc_embed.3.cloned.1.call-start
scs
__scs_entry_jumppad:
0x0: {  	(pc) =	sbr.rel $0x88, $3  }
0x1: {  	(tag) =	ssettag $0x0;
	lr =	simm.s32 $0x1  }
0x2: {  	[smem:$0x3F9F] =	sst lr;
	_ =	strace $0xD0000000  }
0x3: {  	_ = 	snop  }
0x4: {  	_ = 	snop  }
0x5: {  	_ = 	snop  }
0x6: {  	_ = 	snop  }
0x7: {  	_ = 	snop  }
__scs_overlays_trampoline_lowered:
0x8: {  	[smem:$0x3FAE] =	sst s0  }
0x9: {  	[smem:$0x3FAF] =	sst s1  }
0xa: {  	[smem:$0x3FB0] =	sst s2  }
0xb: {  	[smem:$0x3FB1] =	sst s3  }
0xc: {  	[smem:$0x3FB2] =	sst s4  }
0xd: {  	[smem:$0x3FB3] =	sst s5  }
0xe: {  	[smem:$0x3FB4] =	sst s6  }
0xf: {  	[smem:$0x3FB5] =	sst s7  }
0x10: {  	[smem:$0x3FB6] =	sst s8  }
0x11: {  	[smem:$0x3FB7] =	sst s9;
	s0 =	simm.s32 @!p0 $0x0  }
0x12: {  	s1 =	sld [smem:$0x3F9D];
	s0 =	simm.s32 @p0 $0x1  }
0x13: {  	[smem:$0x3FB8] =	sst s0;
	s0 =	simm.s32 @!p1 $0x0  }
0x14: {  	s2 =	sld [smem:$0x3F9C];
	s0 =	simm.s32 @p1 $0x1  }
0x15: {  	[smem:$0x3FB9] =	sst s0;
	s0 =	simm.s32 @!p2 $0x0  }
0x16: {  	s3 =	sld [smem:$0x3FDB];
	s0 =	simm.s32 @p2 $0x1  }
0x17: {  	s4 =	simm.s32 $0x1BF5;
	[smem:$0x3FBB] =	sst s0  }
0x18: {  	s0 =	sld [smem:$0x3F9E];
	_ =	swait.ge [sflag:s4], $0x0  }
0x19: {  	s7 =	sld [smem:$0x3F9F]  }
0x1a: {  	s8 =	sadd.s32 $0xFFFFE003, lr  }
0x1b: {  	s9 =	sadd.s32 $0xFFFFFEF7, lr;
	s5 =	simm.s32 $0xFFFFFFFF;
	p2 =	slt.u32 s8, $0xFFFFF086  }
0x1c: {  	p1 =	slt.u32 s9, $0xF7A;
	s5 =	simm.s32 @!p2 $0x0  }
0x1d: {  	s5 =	simm.s32 @p1 $0x1;
	p0 =	seq.s32 s7, s2  }
0x1e: {  	s7 =	smul.u32 @!p0 $0xF7A, s2;
	p2 =	seq.s32 @!p0 s5, $0x0  }
0x1f: {  	s9 =	smul.u32 $0xF7A, s1;
	s8 =	simm.s32 @!p0 $0x1BF5;
	p2 =	por !p2, p0  }
0x20: {  	[sflag:s8] =	ssyncset.s32 @!p0 $0xFFFFF086;
	s6 =	sadd.s32 @!p0 s3, s7;
	s7 =	simm.s32 @!p0 $0x108  }
0x21: {  	s3 =	sadd.s32 s3, s9;
	s6 =	sadd.s32 @!p0 $0x88, s6;
	s7 =	simm.s32 @p2 $0x1082  }
0x22: {  	[simem:s7], [sflag:s8] =	dma.local @!p0 [hbm:s6], $0xF7A  }
0x23: {  	s9 =	sor.u32 $0xD0000000, s2;
	s6 =	simm.s32 $0x108;
	_ =	swait.ge @!p0 [sflag:s8], $0x0  }
0x24: {  	s3 =	sadd.s32 $0x88, s3;
	s6 =	simm.s32 @!p1 $0x1082;
	[sflag:s4] =	ssyncset.s32 $0xFFFFF086  }
0x25: {  	[simem:s6], [sflag:s4] =	dma.local [hbm:s3], $0xF7A  }
0x26: {  	[smem:$0x3F9F] =	sst s1;
	(tag) =	ssettag s2;
	_ =	strace s9  }
0x27: {  	s1 =	sld [smem:$0x3FAF]  }
0x28: {  	s2 =	sld [smem:$0x3FB0]  }
0x29: {  	s4 =	sld [smem:$0x3FB2]  }
0x2a: {  	p0 =	seq.s32 s5, $0x0;
	s5 =	sld [smem:$0x3FB3]  }
0x2b: {  	s6 =	sld [smem:$0x3FB4]  }
0x2c: {  	s7 =	sld [smem:$0x3FB5]  }
0x2d: {  	s3 =	simm.s32 $0x108;
	s8 =	sld [smem:$0x3FB6]  }
0x2e: {  	s3 =	simm.s32 @!p0 $0x1082;
	s9 =	sld [smem:$0x3FB7]  }
0x2f: {  	lr =	sadd.s32 s0, s3;
	s0 =	sld [smem:$0x3FAE]  }
0x30: {  	s3 =	sld [smem:$0x3FB1]  }
0x31: {  	[smem:$0x3FBA] =	sst s10  }
0x32: {  	s10 =	sld [smem:$0x3FB8];
	_ =	sdelay $0x3  }
0x33: {  	p0 =	seq.s32 s10, $0x1;
	s10 =	sld [smem:$0x3FBA];
	_ =	sdelay $0x3  }
0x34: {  	[smem:$0x3FBA] =	sst s10  }
0x35: {  	s10 =	sld [smem:$0x3FB9];
	_ =	sdelay $0x3  }
0x36: {  	p1 =	seq.s32 s10, $0x1;
	s10 =	sld [smem:$0x3FBA];
	_ =	sdelay $0x3  }
0x37: {  	[smem:$0x3FBA] =	sst s10  }
0x38: {  	s10 =	sld [smem:$0x3FBB]  }
0x39: {  	_ = 	snop;
	(pc) =	sbr.ind lr, $3  }
0x3a: {  	_ = 	snop  }
0x3b: {  	_ = 	snop  }
0x3c: {  	p2 =	seq.s32 s10, $0x1;
	s10 =	sld [smem:$0x3FBA]  }
0x3d: {  	_ =	shalt  }
0x3e: {  	_ =	shalt  }
0x3f: {  	_ =	shalt  }
0x40: {  	_ =	shalt  }
0x41: {  	_ =	shalt  }
0x42: {  	_ =	shalt  }
0x43: {  	_ =	shalt  }
0x44: {  	_ =	shalt  }
0x45: {  	_ =	shalt  }
0x46: {  	_ =	shalt  }
0x47: {  	_ =	shalt  }
0x48: {  	_ =	shalt  }
0x49: {  	_ =	shalt  }
0x4a: {  	_ =	shalt  }
0x4b: {  	_ =	shalt  }
0x4c: {  	_ =	shalt  }
0x4d: {  	_ =	shalt  }
0x4e: {  	_ =	shalt  }
0x4f: {  	_ =	shalt  }
0x50: {  	_ =	shalt  }
0x51: {  	_ =	shalt  }
0x52: {  	_ =	shalt  }
0x53: {  	_ =	shalt  }
0x54: {  	_ =	shalt  }
0x55: {  	_ =	shalt  }
0x56: {  	_ =	shalt  }
0x57: {  	_ =	shalt  }
0x58: {  	_ =	shalt  }
0x59: {  	_ =	shalt  }
0x5a: {  	_ =	shalt  }
0x5b: {  	_ =	shalt  }
0x5c: {  	_ =	shalt  }
0x5d: {  	_ =	shalt  }
0x5e: {  	_ =	shalt  }
0x5f: {  	_ =	shalt  }
0x60: {  	_ =	shalt  }
0x61: {  	_ =	shalt  }
0x62: {  	_ =	shalt  }
0x63: {  	_ =	shalt  }
0x64: {  	_ =	shalt  }
0x65: {  	_ =	shalt  }
0x66: {  	_ =	shalt  }
0x67: {  	_ =	shalt  }
0x68: {  	_ =	shalt  }
0x69: {  	_ =	shalt  }
0x6a: {  	_ =	shalt  }
0x6b: {  	_ =	shalt  }
0x6c: {  	_ =	shalt  }
0x6d: {  	_ =	shalt  }
0x6e: {  	_ =	shalt  }
0x6f: {  	_ =	shalt  }
0x70: {  	_ =	shalt  }
0x71: {  	_ =	shalt  }
0x72: {  	_ =	shalt  }
0x73: {  	_ =	shalt  }
0x74: {  	_ =	shalt  }
0x75: {  	_ =	shalt  }
0x76: {  	_ =	shalt  }
0x77: {  	_ =	shalt  }
0x78: {  	_ =	shalt  }
0x79: {  	_ =	shalt  }
0x7a: {  	_ =	shalt  }
0x7b: {  	_ =	shalt  }
0x7c: {  	_ =	shalt  }
0x7d: {  	_ =	shalt  }
0x7e: {  	_ =	shalt  }
0x7f: {  	_ =	shalt  }
0x80: {  	_ =	shalt  }
0x81: {  	_ =	shalt  }
0x82: {  	_ =	shalt  }
0x83: {  	_ =	shalt  }
0x84: {  	_ =	shalt  }
0x85: {  	_ =	shalt  }
0x86: {  	_ =	shalt  }
0x87: {  	_ =	shalt  }
.Lfunc_end0:
.L_simem_size_0:
called_computation_lowered:
.L_overlay_start_0:
0x88: {  	s2 =	sld [smem:$0x3FD9]  }
0x89: {  	s3 =	sld [smem:$0x3FFE];
	_ =	sdelay $0x1  }
0x8a: {  	s1 =	srdreg.scid  }
0x8b: {  	s0 =	sand.u32 $0x1, s1  }
0x8c: {  	s18 =	sshll.u32 s0, $0xA;
	s2 =	sadd.s32 s3, s2  }
0x8d: {  	s2 =	sadd.s32 s2, s18  }
0x8e: {  	[smem:$0x3FC6] =	sst s2  }
0x8f: {  	_ = 	snop  }
0x90: {  	s2 =	sld [smem:$0x3FC9]  }
0x91: {  	s19 =	sld [smem:$0x3FC8]  }
0x92: {  	s4 =	sld [smem:$0x3FD0];
	(tm) =	ssettm $0x1  }
0x93: {  	s5 =	sld [smem:$0x3FFB];
	_ =	sdelay $0x3  }
0x94: {  	_ =	strace s5  }
0x95: {  	s5 =	sld [smem:$0x3FFC];
	_ =	sdelay $0x3  }
0x96: {  	_ =	strace s5  }
0x97: {  	s5 =	sld [smem:$0x3FFD];
	_ =	sdelay $0x3  }
0x98: {  	_ =	strace s5  }
0x99: {  	_ =	strace $0x8FFFFFFF  }
0x9a: {  	s20 =	sld [smem:$0x3FDB];
	_ =	sdelay $0x1  }
0x9b: {  	s6 =	simm.s32 $_scs_section_size  }
0x9c: {  	s7 =	simm.s32 $_size__tile_overlayer_lowered;
	s8 =	simm.s32 $_tile_overlayer_lowered  }
0x9d: {  	s23 =	simm.s32 $0x1BFF;
	s22 =	sshll.u32 s8, $0x1;
	s5 =	sadd.s32 s6, s20  }
0x9e: {  	s9 =	simm.s32 $0x0;
	s21 =	sshll.u32 s7, $0x1;
	s7 =	sadd.s32 s22, s5  }
0x9f: {  	[timem:s9], [sflag:s23] =	dma.local [hbm:s7], s21  }
0xa0: {  	_ =	swait.ge [sflag:s23], s21  }
0xa1: {  	s6 =	ssub.s32 $0x0, s21;
	[sflag:s23] =	ssyncset.done $0x0  }
0xa2: {  	[sflag:s23] =	ssyncadd.s32 s6;
	_ =	sdelay $0x1  }
0xa3: {  	s24 =	simm.s32 $0x1B8B  }
0xa4: {  	_ =	swait.ge [sflag:s24], $0x1  }
0xa5: {  	[sflag:s24] =	ssyncset.done $0x0  }
0xa6: {  	s25 =	simm.s32 $0x1B8E;
	[sflag:s24] =	ssyncadd.s32 $0xFFFFFFFF  }
0xa7: {  	s26 =	simm.s32 $execute0_lowered;
	[smem:$0x3FD2] =	sst s25  }
0xa8: {  	s6 =	sshll.u32 s26, $0x1;
	_ =	strace $0x80000046;
	[dreg:$0x1] =	wrdreg $0xFFFFFFFF  }
0xa9: {  	s28 =	simm.s32 $_size_execute0_lowered;
	s5 =	sadd.s32 s5, s6;
	[dreg:$0x0] =	wrdreg $0x0  }
0xaa: {  	s6 =	sshll.u32 s28, $0x1;
	[dreg:$0x2] =	wrdreg s5  }
0xab: {  	[dreg:$0x3] =	wrdreg s6  }
0xac: {  	[dreg:$0x4] =	wrdreg $0xC0  }
0xad: {  	_ =	task [dreg:s9], $0x5FFFF  }
0xae: {  	[dreg:$0x1] =	wrdreg $0xFFFFFFFF  }
0xaf: {  	[dreg:$0x0] =	wrdreg $0x60  }
0xb0: {  	[dreg:$0x2] =	wrdreg s2  }
0xb1: {  	[dreg:$0x3] =	wrdreg s19  }
0xb2: {  	[dreg:$0x4] =	wrdreg s4  }
0xb3: {  	[dreg:$0x5] =	wrdreg $0x9  }
0xb4: {  	_ =	task.clear_ibuf [dreg:s9], $0x6FFFF;
	_ =	strace $0x90000046  }
0xb5: {  	s29 =	simm.s32 $0x9;
	_ =	strace $0x80000048  }
0xb6: {  	_ =	swait.ge [sflag:s29], $0x1  }
0xb7: {  	[sflag:s29] =	ssyncadd.s32 $0xFFFFFFFF  }
0xb8: {  	_ =	strace $0x90000048  }
0xb9: {  	_ =	sfence  }
0xba: {  	s30 =	sld [smem:$0x0];
	_ =	sdelay $0x2  }
0xbb: {  	s31 =	sshll.u32 s1, $0xD;
	s1 =	sshrl.u32 s1, $0x2  }
0xbc: {  	s3 =	sand.u32 $0x4000, s31;
	s1 =	sadd.s32 s1, s30  }
0xbd: {  	s0 =	sor.u32 s3, s0;
	s1 =	sshll.u32 s1, $0x11  }
0xbe: {  	s0 =	sor.u32 s1, s0  }
0xbf: {  	s0 =	sadd.s32 $0x8F2B, s0  }
0xc0: {  	[sflag:s0] =	ssyncadd.remote.s32 $0x1  }
0xc1: {  	_ =	sfence.sel $0xFFFF  }
0xc2: {  	[dreg:$0x0] =	wrdreg $0xFFFFFFFF;
	(pc) =	sbr.abs _section_cstart, $3  }
0xc3: {  	[dreg:$0x1] =	wrdreg $0xFFFFFFFF  }
0xc4: {  	_ =	task.clear_ibuf [dreg:s9], $0x2FFFF;
	_ =	strace $0x9FFFFFFF  }
0xc5: {  	(tm) =	ssettm $0x7FFFFFFF  }
tec
execute0_lowered:
.L_overlay_start_1:
0x0: {  	(tag) =	ssettag $0x1  }
0x1: {  	s1 =	rddreg [dreg:$0x0]  }
0x2: {  	s0 =	srdreg.scid;
	s3 =	rddreg [dreg:$0x1]  }
0x3: {  	s11 =	stileid.u32;
	s5 =	rddreg [dreg:$0x2]  }
0x4: {  	s4 =	simm.s32 $0x0;
	s12 =	simm.s32 $0xB;
	s13 =	simm.s32 $0x80  }
0x5: {  	s14 =	simm.s32 $0x280;
	s15 =	simm.s32 $0x4280;
	s7 =	smul.u32 $0x1900000, s11  }
0x6: {  	s16 =	simm.s32 $0x100;
	s17 =	simm.s32 $0x8280;
	s24 =	smul.u32 $0x320000, s11  }
0x7: {  	s18 =	simm.s32 $0x180;
	s19 =	simm.s32 $0xC280;
	s10 =	smul.u32 $0x6400, s11  }
0x8: {  	s20 =	simm.s32 $0x200;
	s0 =	sand.u32 $0x1, s0;
	s30 =	smul.u32 $0x32000, s11  }
0x9: {  	s21 =	simm.s32 $0x10280;
	s22 =	simm.s32 $0x1;
	s9 =	smul.u32 $0xC80000, s0  }
0xa: {  	s23 =	simm.s32 $0x2;
	s2 =	sshll.u32 s11, $0x1;
	s25 =	smul.u32 $0x190000, s0  }
0xb: {  	[smem:$0x7FF] =	sst s4;
	s6 =	ssub.s32 $0x2, s0;
	s28 =	smul.u32 $0x3200, s0  }
0xc: {  	s2 =	sor.u32 s0, s2;
	s0 =	smul.u32 $0x19000, s0;
	s8 =	sshrl.u32 s6, $0x1  }
0xd: {  	_ =	strace $0x80000047;
	s2 =	smul.u32 $0x15, s2;
	s6 =	ssub.s32 s6, s8  }
0xe: {  	s7 =	sadd.s32 s9, s7;
	s8 =	sadd.s32 s24, s5;
	s0 =	sadd.s32 s0, s30  }
0xf: {  	s24 =	simm.s32 $0x3;
	s6 =	smax.u32 s6, $0x1;
	s9 =	sor.u32 $0x10000, s7  }
0x10: {  	[dreg:$0x5] =	wrdreg s6;
	s6 =	sadd.s32 s25, s8;
	s26 =	sshrl.u32 s9, $0x3  }
0x11: {  	s29 =	sor.u32 $0xC000, s7;
	[dreg:$0x6] =	wrdreg s6;
	s6 =	sadd.s32 s26, s5  }
0x12: {  	s31 =	sor.u32 $0x8000, s7;
	[dreg:$0x7] =	wrdreg s6;
	s6 =	sshrl.u32 s29, $0x3  }
0x13: {  	s7 =	sor.u32 $0x4000, s7;
	[dreg:$0x4] =	wrdreg s0;
	s6 =	sadd.s32 s6, s5  }
0x14: {  	v0 =	vmov s2;
	s2 =	simm.s32 $0xA;
	[dreg:$0x8] =	wrdreg s6;
	s6 =	sshrl.u32 s31, $0x3  }
0x15: {  	s0 =	simm.s32 $0x0;
	s7 =	sshrl.u32 s7, $0x3;
	s6 =	sadd.s32 s6, s5  }
0x16: {  	s8 =	sadd.s32 s28, s10;
	s5 =	sadd.s32 s7, s5;
	[dreg:$0x9] =	wrdreg s6  }
0x17: {  	s25 =	simm.s32 $0x4;
	s26 =	simm.s32 $0x5;
	[dreg:$0xa] =	wrdreg s5  }
.LBB2_1:
0x18: {  	s11 =	rddreg [dreg:$0xa]  }
0x19: {  	s10 =	rddreg [dreg:$0x9]  }
0x1a: {  	s9 =	rddreg [dreg:$0x8]  }
0x1b: {  	s7 =	rddreg [dreg:$0x7]  }
0x1c: {  	s5 =	simm.s32 $0x40;
	s6 =	simm.s32 $0x0;
	s28 =	rddreg [dreg:$0x6]  }
.LBB2_2:
0x1d: {  	p0 =	seq.s32 s5, $0x40  }
0x1e: {  	s29 =	simm.s32 @!p0 $0x6  }
0x1f: {  	_ =	swait.ge @!p0 [sflag:s29], $0x4000  }
0x20: {  	s30 =	rddreg [dreg:$0x4]  }
0x21: {  	s30 =	sadd.s32 s6, s30  }
0x22: {  	s31 =	sand.u32 $0x380, s6;
	s30 =	sand.u32 $0x7FFFFC00, s30  }
0x23: {  	s30 =	sor.u32 s31, s30  }
0x24: {  	[sflag:s29] =	ssyncset.done @!p0 $0x0;
	s30 =	sshrl.u32 s30, $0x3  }
0x25: {  	[sflag:s29] =	ssyncadd.s32 @!p0 $0xFFFFC000;
	s31 =	sadd.s32 s1, s30  }
0x26: {  	[tilespmem:s4], [sflag:$0xB] =	stream.linear.gather [hbm4b:s31+s4], $0x80, $0x38;
	[tilespmem:$0x14280] =	vst v63  }
0x27: {  	_ =	swait.ge [sflag:s12], $0x80  }
0x28: {  	[sflag:s12] =	ssyncset.done $0x0  }
0x29: {  	[sflag:s12] =	ssyncadd.s32 $0xFFFFFF80  }
0x2a: {  	v1 =	vld [tilespmem:$0x0]  }
0x2b: {  	v2 =	vld [tilespmem:$0x10]  }
0x2c: {  	v3 =	vld [tilespmem:$0x20]  }
0x2d: {  	v4 =	vld [tilespmem:$0x30]  }
0x2e: {  	v5 =	vld [tilespmem:$0x40]  }
0x2f: {  	v6 =	vld [tilespmem:$0x50];
	v1 =	vadd.s32 v0, v1  }
0x30: {  	[tilespmem:$0x0] =	vst v1;
	v1 =	vadd.s32 v0, v2;
	v2 =	vld [tilespmem:$0x60]  }
0x31: {  	[tilespmem:$0x10] =	vst v1;
	v1 =	vadd.s32 v0, v3;
	v3 =	vld [tilespmem:$0x70]  }
0x32: {  	[tilespmem:$0x20] =	vst v1;
	v1 =	vadd.s32 v0, v4  }
0x33: {  	[tilespmem:$0x30] =	vst v1;
	v1 =	vadd.s32 v0, v5  }
0x34: {  	[tilespmem:$0x40] =	vst v1;
	v1 =	vadd.s32 v0, v6  }
0x35: {  	[tilespmem:$0x50] =	vst v1;
	v1 =	vadd.s32 v0, v2  }
0x36: {  	[tilespmem:$0x60] =	vst v1;
	v1 =	vadd.s32 v0, v3  }
0x37: {  	s29 =	simm.s32 @!p0 $0x7;
	s30 =	sadd.s32 $0xFFFFFFD0, s5;
	[tilespmem:$0x70] =	vst v1  }
0x38: {  	[tilespmem:s14], [sflag:$0x1] =	stream.indirect.gather [hbm4b:s3+s13], $0x80, s4, s13, $0xb8;
	[tilespmem:$0x14280] =	vst v63  }
0x39: {  	s31 =	sadd.s32 s8, s30;
	s30 =	sand.u32 $0x70, s30;
	_ =	swait.ge @!p0 [sflag:s29], $0x4000  }
0x3a: {  	s31 =	sand.u32 $0xFFFFF80, s31;
	s30 =	sadd.s32 s1, s30;
	[sflag:s29] =	ssyncset.done @!p0 $0x0  }
0x3b: {  	s30 =	sadd.s32 s31, s30;
	[sflag:s29] =	ssyncadd.s32 @!p0 $0xFFFFC000  }
0x3c: {  	[tilespmem:s13], [sflag:$0xB] =	stream.linear.gather [hbm4b:s30+s4], $0x80, $0x38;
	[tilespmem:$0x14280] =	vst v63  }
0x3d: {  	_ =	swait.ge [sflag:s12], $0x80  }
0x3e: {  	[sflag:s12] =	ssyncset.done $0x0  }
0x3f: {  	[sflag:s12] =	ssyncadd.s32 $0xFFFFFF80  }
0x40: {  	v1 =	vld [tilespmem:$0x80]  }
0x41: {  	v2 =	vld [tilespmem:$0x90]  }
0x42: {  	v3 =	vld [tilespmem:$0xA0]  }
0x43: {  	v52 =	vld [tilespmem:$0xB0]  }
0x44: {  	v53 =	vld [tilespmem:$0xC0]  }
0x45: {  	v54 =	vld [tilespmem:$0xD0];
	v1 =	vadd.s32 v0, v1  }
0x46: {  	[tilespmem:$0x80] =	vst v1;
	v1 =	vadd.s32 v0, v2;
	v2 =	vld [tilespmem:$0xE0]  }
0x47: {  	[tilespmem:$0x90] =	vst v1;
	v1 =	vadd.s32 v0, v3;
	v3 =	vld [tilespmem:$0xF0]  }
0x48: {  	[tilespmem:$0xA0] =	vst v1;
	v1 =	vadd.s32 v0, v52  }
0x49: {  	[tilespmem:$0xB0] =	vst v1;
	v1 =	vadd.s32 v0, v53  }
0x4a: {  	[tilespmem:$0xC0] =	vst v1;
	v1 =	vadd.s32 v0, v54  }
0x4b: {  	[tilespmem:$0xD0] =	vst v1;
	v1 =	vadd.s32 v0, v2  }
0x4c: {  	[tilespmem:$0xE0] =	vst v1;
	v1 =	vadd.s32 v0, v3  }
0x4d: {  	s29 =	simm.s32 @!p0 $0x8;
	s30 =	sadd.s32 $0xFFFFFFE0, s5;
	[tilespmem:$0xF0] =	vst v1  }
0x4e: {  	[tilespmem:s15], [sflag:$0x2] =	stream.indirect.gather [hbm4b:s3+s13], $0x80, s13, s13, $0xb8;
	[tilespmem:$0x14280] =	vst v63  }
0x4f: {  	s31 =	sadd.s32 s8, s30;
	s30 =	sand.u32 $0x70, s30;
	_ =	swait.ge @!p0 [sflag:s29], $0x4000  }
0x50: {  	s31 =	sand.u32 $0xFFFFF80, s31;
	s30 =	sadd.s32 s1, s30;
	[sflag:s29] =	ssyncset.done @!p0 $0x0  }
0x51: {  	s31 =	sadd.s32 s31, s30;
	[sflag:s29] =	ssyncadd.s32 @!p0 $0xFFFFC000  }
0x52: {  	[tilespmem:s16], [sflag:$0xB] =	stream.linear.gather [hbm4b:s31+s4], $0x80, $0x38;
	[tilespmem:$0x14280] =	vst v63  }
0x53: {  	_ =	swait.ge [sflag:s12], $0x80  }
0x54: {  	[sflag:s12] =	ssyncset.done $0x0  }
0x55: {  	[sflag:s12] =	ssyncadd.s32 $0xFFFFFF80  }
0x56: {  	v1 =	vld [tilespmem:$0x100]  }
0x57: {  	v2 =	vld [tilespmem:$0x110]  }
0x58: {  	v3 =	vld [tilespmem:$0x120]  }
0x59: {  	v55 =	vld [tilespmem:$0x130]  }
0x5a: {  	v56 =	vld [tilespmem:$0x140]  }
0x5b: {  	v57 =	vld [tilespmem:$0x150];
	v1 =	vadd.s32 v0, v1  }
0x5c: {  	[tilespmem:$0x100] =	vst v1;
	v1 =	vadd.s32 v0, v2;
	v2 =	vld [tilespmem:$0x160]  }
0x5d: {  	[tilespmem:$0x110] =	vst v1;
	v1 =	vadd.s32 v0, v3;
	v3 =	vld [tilespmem:$0x170]  }
0x5e: {  	[tilespmem:$0x120] =	vst v1;
	v1 =	vadd.s32 v0, v55  }
0x5f: {  	[tilespmem:$0x130] =	vst v1;
	v1 =	vadd.s32 v0, v56  }
0x60: {  	[tilespmem:$0x140] =	vst v1;
	v1 =	vadd.s32 v0, v57  }
0x61: {  	[tilespmem:$0x150] =	vst v1;
	v1 =	vadd.s32 v0, v2  }
0x62: {  	[tilespmem:$0x160] =	vst v1;
	v1 =	vadd.s32 v0, v3  }
0x63: {  	s30 =	sadd.s32 $0xFFFFFFF0, s5;
	s29 =	simm.s32 @!p0 $0x9;
	[tilespmem:$0x170] =	vst v1  }
0x64: {  	[tilespmem:s17], [sflag:$0x3] =	stream.indirect.gather [hbm4b:s3+s13], $0x80, s16, s13, $0xb8;
	[tilespmem:$0x14280] =	vst v63  }
0x65: {  	s31 =	sadd.s32 s8, s30;
	s30 =	sand.u32 $0x70, s30;
	_ =	swait.ge @!p0 [sflag:s29], $0x4000  }
0x66: {  	s31 =	sand.u32 $0xFFFFF80, s31;
	s30 =	sadd.s32 s1, s30;
	[sflag:s29] =	ssyncset.done @!p0 $0x0  }
0x67: {  	s30 =	sadd.s32 s31, s30;
	[sflag:s29] =	ssyncadd.s32 @!p0 $0xFFFFC000  }
0x68: {  	[tilespmem:s18], [sflag:$0xB] =	stream.linear.gather [hbm4b:s30+s4], $0x80, $0x38;
	[tilespmem:$0x14280] =	vst v63  }
0x69: {  	_ =	swait.ge [sflag:s12], $0x80  }
0x6a: {  	[sflag:s12] =	ssyncset.done $0x0  }
0x6b: {  	[sflag:s12] =	ssyncadd.s32 $0xFFFFFF80  }
0x6c: {  	v1 =	vld [tilespmem:$0x180]  }
0x6d: {  	v2 =	vld [tilespmem:$0x190]  }
0x6e: {  	v3 =	vld [tilespmem:$0x1A0]  }
0x6f: {  	v58 =	vld [tilespmem:$0x1B0]  }
0x70: {  	v59 =	vld [tilespmem:$0x1C0]  }
0x71: {  	v60 =	vld [tilespmem:$0x1D0];
	v1 =	vadd.s32 v0, v1  }
0x72: {  	[tilespmem:$0x180] =	vst v1;
	v1 =	vadd.s32 v0, v2;
	v2 =	vld [tilespmem:$0x1E0]  }
0x73: {  	[tilespmem:$0x190] =	vst v1;
	v1 =	vadd.s32 v0, v3;
	v3 =	vld [tilespmem:$0x1F0]  }
0x74: {  	[tilespmem:$0x1A0] =	vst v1;
	v1 =	vadd.s32 v0, v58  }
0x75: {  	[tilespmem:$0x1B0] =	vst v1;
	v1 =	vadd.s32 v0, v59  }
0x76: {  	[tilespmem:$0x1C0] =	vst v1;
	v1 =	vadd.s32 v0, v60  }
0x77: {  	[tilespmem:$0x1D0] =	vst v1;
	v1 =	vadd.s32 v0, v2  }
0x78: {  	[tilespmem:$0x1E0] =	vst v1;
	v1 =	vadd.s32 v0, v3  }
0x79: {  	s29 =	simm.s32 @!p0 $0xA;
	[tilespmem:$0x1F0] =	vst v1  }
0x7a: {  	[tilespmem:s19], [sflag:$0x4] =	stream.indirect.gather [hbm4b:s3+s13], $0x80, s18, s13, $0xb8;
	[tilespmem:$0x14280] =	vst v63  }
0x7b: {  	s31 =	sand.u32 $0x70, s5;
	s30 =	sadd.s32 s5, s8;
	_ =	swait.ge @!p0 [sflag:s29], $0x4000  }
0x7c: {  	s31 =	sadd.s32 s1, s31;
	s30 =	sand.u32 $0xFFFFF80, s30;
	[sflag:s29] =	ssyncset.done @!p0 $0x0  }
0x7d: {  	s31 =	sadd.s32 s30, s31;
	[sflag:s29] =	ssyncadd.s32 @!p0 $0xFFFFC000  }
0x7e: {  	[tilespmem:s20], [sflag:$0xB] =	stream.linear.gather [hbm4b:s31+s4], $0x80, $0x38;
	[tilespmem:$0x14280] =	vst v63  }
0x7f: {  	_ =	swait.ge [sflag:s12], $0x80  }
0x80: {  	[sflag:s12] =	ssyncset.done $0x0  }
0x81: {  	[sflag:s12] =	ssyncadd.s32 $0xFFFFFF80  }
0x82: {  	v1 =	vld [tilespmem:$0x200]  }
0x83: {  	v2 =	vld [tilespmem:$0x210]  }
0x84: {  	v3 =	vld [tilespmem:$0x220]  }
0x85: {  	v61 =	vld [tilespmem:$0x230]  }
0x86: {  	v62 =	vld [tilespmem:$0x240]  }
0x87: {  	v63 =	vld [tilespmem:$0x250];
	v1 =	vadd.s32 v0, v1  }
0x88: {  	[tilespmem:$0x200] =	vst v1;
	v1 =	vadd.s32 v0, v2;
	v2 =	vld [tilespmem:$0x260]  }
0x89: {  	[tilespmem:$0x210] =	vst v1;
	v1 =	vadd.s32 v0, v3;
	v3 =	vld [tilespmem:$0x270]  }
0x8a: {  	[tilespmem:$0x220] =	vst v1;
	v1 =	vadd.s32 v0, v61  }
0x8b: {  	[tilespmem:$0x230] =	vst v1;
	v1 =	vadd.s32 v0, v62  }
0x8c: {  	[tilespmem:$0x240] =	vst v1;
	v1 =	vadd.s32 v0, v63  }
0x8d: {  	[tilespmem:$0x250] =	vst v1;
	v1 =	vadd.s32 v0, v2  }
0x8e: {  	[tilespmem:$0x260] =	vst v1;
	v1 =	vadd.s32 v0, v3  }
0x8f: {  	[tilespmem:$0x270] =	vst v1  }
0x90: {  	[tilespmem:s21], [sflag:$0x5] =	stream.indirect.gather [hbm4b:s3+s13], $0x80, s20, s13, $0xb8;
	[tilespmem:$0x14280] =	vst v63  }
0x91: {  	_ =	swait.ge [sflag:s22], $0x4000  }
0x92: {  	[sflag:s22] =	ssyncset.done $0x0  }
0x93: {  	[sflag:s22] =	ssyncadd.s32 $0xFFFFC000  }
0x94: {  	[hbm4b:s28+s4] =	stream.linear.scatter [tilespmem:s14], [sflag:$0x6], $0x4000, $0x38;
	[tilespmem:$0x14280] =	vst v63  }
0x95: {  	_ =	swait.ge [sflag:s23], $0x4000  }
0x96: {  	[sflag:s23] =	ssyncset.done $0x0  }
0x97: {  	[sflag:s23] =	ssyncadd.s32 $0xFFFFC000  }
0x98: {  	[hbm4b:s11+s4] =	stream.linear.scatter [tilespmem:s15], [sflag:$0x7], $0x4000, $0x38;
	[tilespmem:$0x14280] =	vst v63  }
0x99: {  	_ =	swait.ge [sflag:s24], $0x4000  }
0x9a: {  	[sflag:s24] =	ssyncset.done $0x0  }
0x9b: {  	[sflag:s24] =	ssyncadd.s32 $0xFFFFC000  }
0x9c: {  	[hbm4b:s10+s4] =	stream.linear.scatter [tilespmem:s17], [sflag:$0x8], $0x4000, $0x38;
	[tilespmem:$0x14280] =	vst v63  }
0x9d: {  	_ =	swait.ge [sflag:s25], $0x4000  }
0x9e: {  	s5 =	sadd.s32 $0x50, s5;
	[sflag:s25] =	ssyncset.done $0x0  }
0x9f: {  	p0 =	sne.s32 s5, $0x3240;
	[sflag:s25] =	ssyncadd.s32 $0xFFFFC000  }
0xa0: {  	[hbm4b:s9+s4] =	stream.linear.scatter [tilespmem:s19], [sflag:$0x9], $0x4000, $0x38;
	[tilespmem:$0x14280] =	vst v63  }
.Ltmp0:
0xa1: {  	_ =	swait.ge [sflag:s26], $0x4000;
	(pc) =	sbr.rel @p0 .LBB2_2-.Ltmp0, $4  }
0xa2: {  	s6 =	sadd.s32 $0x280, s6;
	[sflag:s26] =	ssyncset.done $0x0  }
0xa3: {  	s28 =	sadd.s32 $0x2800, s28;
	s11 =	sadd.s32 $0x2800, s11;
	[sflag:s26] =	ssyncadd.s32 $0xFFFFC000  }
0xa4: {  	[hbm4b:s7+s4] =	stream.linear.scatter [tilespmem:s21], [sflag:$0xA], $0x4000, $0x38;
	[tilespmem:$0x14280] =	vst v63  }
0xa5: {  	s10 =	sadd.s32 $0x2800, s10;
	s9 =	sadd.s32 $0x2800, s9;
	s7 =	sadd.s32 $0x2800, s7  }
0xa6: {  	s5 =	simm.s32 $0x6  }
0xa7: {  	_ =	swait.ge [sflag:s5], $0x4000  }
0xa8: {  	[sflag:s5] =	ssyncset.done $0x0  }
0xa9: {  	s28 =	simm.s32 $0x7;
	[sflag:s5] =	ssyncadd.s32 $0xFFFFC000  }
0xaa: {  	_ =	swait.ge [sflag:s28], $0x4000  }
0xab: {  	[sflag:s28] =	ssyncset.done $0x0  }
0xac: {  	s29 =	simm.s32 $0x8;
	[sflag:s28] =	ssyncadd.s32 $0xFFFFC000  }
0xad: {  	_ =	swait.ge [sflag:s29], $0x4000  }
0xae: {  	[sflag:s29] =	ssyncset.done $0x0  }
0xaf: {  	s30 =	simm.s32 $0x9;
	[sflag:s29] =	ssyncadd.s32 $0xFFFFC000  }
0xb0: {  	_ =	swait.ge [sflag:s30], $0x4000  }
0xb1: {  	[sflag:s30] =	ssyncset.done $0x0  }
0xb2: {  	[sflag:s30] =	ssyncadd.s32 $0xFFFFC000  }
0xb3: {  	_ =	swait.ge [sflag:s2], $0x4000  }
0xb4: {  	s0 =	sadd.s32 $0x1, s0;
	s31 =	rddreg [dreg:$0x5]  }
0xb5: {  	p0 =	sne.s32 s0, s31  }
.Ltmp1:
0xb6: {  	_ = 	snop;
	(pc) =	sbr.rel @p0 .LBB2_1-.Ltmp1, $3  }
0xb7: {  	_ =	sdelay $0x1  }
0xb8: {  	[sflag:s2] =	ssyncset.done $0x0  }
0xb9: {  	[sflag:s2] =	ssyncadd.s32 $0xFFFFC000  }
0xba: {  	_ =	sfence.sel $0x180000  }
0xbb: {  	[bflag:$0x0] =	sbarrier.arrive $0xFFFF  }
0xbc: {  	_ =	strace $0x90000047  }
0xbd: {  	s0 =	stileid.u32;
	[bflag:$0x2] =	sbarrier.arrive $0xFFFF  }
0xbe: {  	p0 =	sne.s32 s0, $0x0;
	s0 =	rddreg [dreg:$0x3]  }
0xbf: {  	s0 =	sadd.s32 @!p0 $0x100000, s0  }
0xc0: {  	[sflag:s0] =	ssyncadd.tile.s32 @!p0 $0x1;
	_ =	shalt  }
.Lfunc_end2:
_tile_overlayer_lowered:
.L_overlay_start_2:
0xc1: {  	(tag) =	ssettag $0x2  }
0xc2: {  	s0 =	rddreg [dreg:$0x0];
	s2 =	stileid.u32  }
0xc3: {  	s1 =	rddreg [dreg:$0x1];
	p0 =	sne.s32 s2, $0x0  }
0xc4: {  	s3 =	rddreg [dreg:$0x2];
	[bflag:$0x3] =	sbarrier.arrive $0xFFFF;
	s2 =	simm.s32 @!p0 $0x1C0B  }
0xc5: {  	[timem:s3], [sflag:s2] =	dma.local @!p0 [hbm:s0], s1  }
0xc6: {  	s0 =	simm.s32 @!p0 $0xB  }
0xc7: {  	_ =	swait.ge @!p0 [sflag:s0], s1  }
0xc8: {  	s1 =	ssub.s32 @!p0 $0x0, s1;
	[sflag:s0] =	ssyncset.done @!p0 $0x0  }
0xc9: {  	[sflag:s0] =	ssyncadd.s32 @!p0 s1  }
0xca: {  	[bflag:$0x3] =	sbarrier.arrive $0xFFFF  }
0xcb: {  	_ =	shalt  }

</sc_bundles>
